<compile_context>
chip_gen: v7x
topology: tpu7x:2x2x1
jax: 0.10.2.dev20260603
libtpu: 0.0.44.dev20260713+nightly
codegen_flags: <defaults>
</compile_context>

<pallas_src>
import functools

import jax
import jax.numpy as jnp
from jax import lax
from jax.experimental import pallas as pl
from jax.experimental.pallas import tpu as pltpu
from jax.experimental.pallas import tpu_sc as plsc

B = 16384
D = 128
NC, NS = 2, 16
NW = NC * NS
CHUNK = 128
STAGES = 1
NBUF = 6


def _gather3(u_idx, i_idx, t_idx, user_table, item_table, time_table, n):
    mesh = plsc.VectorSubcoreMesh(core_axis_name="c", subcore_axis_name="s")
    out_type = [jax.ShapeDtypeStruct((n, D), jnp.float32)] * 3
    cpw = n // (NW * CHUNK)
    npw = cpw * CHUNK
    nch = 3 * cpw
    ahead = 2

    @functools.partial(
        pl.kernel,
        mesh=mesh,
        out_type=out_type,
        scratch_types=[
            pltpu.VMEM((npw,), jnp.int32),
            pltpu.VMEM((npw,), jnp.int32),
            pltpu.VMEM((npw,), jnp.int32),
            pltpu.VMEM((NBUF, CHUNK, D), jnp.float32),
            pltpu.SemaphoreType.DMA,
            pltpu.SemaphoreType.DMA,
            pltpu.SemaphoreType.DMA,
        ],
    )
    def gather_kernel(u_idx, i_idx, t_idx, utab, itab, ttab,
                      uo, io, to, idx_u, idx_i, idx_t, rows,
                      sem_i, sem_g, sem_w):
        wid = lax.axis_index("s") * NC + lax.axis_index("c")
        idxs = (u_idx, i_idx, t_idx)
        idxv = (idx_u, idx_i, idx_t)
        tabs = (utab, itab, ttab)
        outs = (uo, io, to)
        cps = [pltpu.async_copy(idxs[t].at[pl.ds(wid * npw, npw)],
                                idxv[t], sem_i) for t in range(3)]
        for cp in cps:
            cp.wait()

        def tj(c):
            return c % 3, c // 3

        gat = [None] * nch
        wrt = [None] * nch

        def start_gather(c):
            t, j = tj(c)
            gat[c] = pltpu.async_copy(
                tabs[t].at[idxv[t].at[pl.ds(j * CHUNK, CHUNK)]],
                rows.at[c % NBUF], sem_g)

        for c in range(min(ahead, nch)):
            start_gather(c)
        for c in range(nch):
            gat[c].wait()
            t, j = tj(c)
            row = wid * cpw + j
            wrt[c] = pltpu.async_copy(rows.at[c % NBUF],
                                      outs[t].at[pl.ds(row * CHUNK, CHUNK)],
                                      sem_w)
            nxt = c + ahead
            if nxt < nch:
                if nxt >= NBUF:
                    wrt[nxt - NBUF].wait()
                start_gather(nxt)
        for c in range(max(0, nch - NBUF), nch):
            wrt[c].wait()

    return gather_kernel(u_idx, i_idx, t_idx, user_table, item_table,
                         time_table)


BB = 4096


def _dense_body(u_ref, i_ref, t_ref, Wu_ref, bu_ref, Wi_ref, bi_ref,
                Wt_ref, bt_ref, o_ref):
    dn = (((1,), (1,)), ((), ()))
    a = lax.dot_general(Wu_ref[...], u_ref[...], dn,
                        preferred_element_type=jnp.float32) + bu_ref[...][:, None]
    b = lax.dot_general(Wi_ref[...], i_ref[...], dn,
                        preferred_element_type=jnp.float32) + bi_ref[...][:, None]
    c = lax.dot_general(Wt_ref[...], t_ref[...], dn,
                        preferred_element_type=jnp.float32) + bt_ref[...][:, None]
    o_ref[...] = jax.nn.sigmoid(jnp.sum(a * b * c, axis=0))


def _dense(u_rows, i_rows, t_rows, Wu, bu, Wi, bi, Wt, bt, n):
    grid = (n // BB,)
    row_spec = pl.BlockSpec((BB, D), lambda i: (i, 0))
    w_spec = pl.BlockSpec((D, D), lambda i: (0, 0))
    b_spec = pl.BlockSpec((D,), lambda i: (0,))
    return pl.pallas_call(
        _dense_body,
        grid=grid,
        in_specs=[row_spec, row_spec, row_spec,
                  w_spec, b_spec, w_spec, b_spec, w_spec, b_spec],
        out_specs=pl.BlockSpec((BB,), lambda i: (i,)),
        out_shape=jax.ShapeDtypeStruct((n,), jnp.float32),
    )(u_rows, i_rows, t_rows, Wu, bu, Wi, bi, Wt, bt)


def kernel(user, item, time, user_table, item_table, time_table,
           Wu, bu, Wi, bi, Wt, bt):
    u_idx = user.astype(jnp.int32)
    i_idx = item.astype(jnp.int32)
    t_idx = time.astype(jnp.int32)
    n = B // STAGES
    gathered = []
    for s in range(STAGES):
        sl = slice(s * n, (s + 1) * n)
        gathered.append(_gather3(u_idx[sl], i_idx[sl], t_idx[sl],
                                 user_table, item_table, time_table, n))
    preds = [_dense(*g, Wu, bu, Wi, bi, Wt, bt, n) for g in gathered]
    if STAGES == 1:
        return preds[0]
    return jnp.concatenate(preds)

# --- scband reference (transcript-rebuilt; emitter-appended) ---
"""Pipeline reference for scband-light-tc-17798344474940 (READ-ONLY COPY).

The authoritative reference and input builder live on the scoring server;
editing this copy changes nothing except your own understanding.
"""

import jax, jax.numpy as jnp
import numpy as np

NUM_USER = 100000
NUM_ITEM = 1000000
NUM_TIME = 1000
DIM = 128
BATCH = 16384


def setup_inputs(seed: int = 0) -> dict:
    key = jax.random.key(seed)
    ks = jax.random.split(key, 12)
    user = jax.random.randint(ks[0], (BATCH,), 0, NUM_USER, dtype=jnp.int64 if jax.config.jax_enable_x64 else jnp.int32)
    item = jax.random.randint(ks[1], (BATCH,), 0, NUM_ITEM, dtype=jnp.int64 if jax.config.jax_enable_x64 else jnp.int32)
    time = jax.random.randint(ks[2], (BATCH,), 0, NUM_TIME, dtype=jnp.int64 if jax.config.jax_enable_x64 else jnp.int32)
    user_table = jax.random.normal(ks[3], (NUM_USER, DIM), dtype=jnp.float32)
    item_table = jax.random.normal(ks[4], (NUM_ITEM, DIM), dtype=jnp.float32)
    time_table = jax.random.normal(ks[5], (NUM_TIME, DIM), dtype=jnp.float32)
    s = 1.0 / np.sqrt(DIM)
    Wu = jax.random.uniform(ks[6], (DIM, DIM), dtype=jnp.float32, minval=-s, maxval=s)
    bu = jax.random.uniform(ks[7], (DIM,), dtype=jnp.float32, minval=-s, maxval=s)
    Wi = jax.random.uniform(ks[8], (DIM, DIM), dtype=jnp.float32, minval=-s, maxval=s)
    bi = jax.random.uniform(ks[9], (DIM,), dtype=jnp.float32, minval=-s, maxval=s)
    Wt = jax.random.uniform(ks[10], (DIM, DIM), dtype=jnp.float32, minval=-s, maxval=s)
    bt = jax.random.uniform(ks[11], (DIM,), dtype=jnp.float32, minval=-s, maxval=s)
    return {"user": user, "item": item, "time": time,
            "user_table": user_table, "item_table": item_table, "time_table": time_table,
            "Wu": Wu, "bu": bu, "Wi": Wi, "bi": bi, "Wt": Wt, "bt": bt}


def reference(user, item, time, user_table, item_table, time_table, Wu, bu, Wi, bi, Wt, bt):
    user_embeds = jnp.take(user_table, user, axis=0)
    item_embeds = jnp.take(item_table, item, axis=0)
    time_embeds = jnp.take(time_table, time, axis=0)
    # torch Linear: y = x @ W.T + b
    time_embeds = time_embeds @ Wt.T + bt
    user_embeds = user_embeds @ Wu.T + bu
    item_embeds = item_embeds @ Wi.T + bi
    pred = jax.nn.sigmoid(jnp.sum(user_embeds * item_embeds * time_embeds, axis=-1))
    return pred

if __name__ == "__main__":
    import jax
    _d = setup_inputs()
    print(jax.jit(kernel)(*tuple(_d.values())))

</pallas_src>

<mosaic_0001>
#map = affine_map<(d0, d1) -> (0)>
#map1 = affine_map<(d0, d1) -> (0, 0)>
module attributes {stable_mosaic.version = 14 : i64} {
  func.func @gather_kernel(%arg0: i32, %arg1: i32, %arg2: memref<16384xi32, #tpu.memory_space<hbm>>, %arg3: memref<16384xi32, #tpu.memory_space<hbm>>, %arg4: memref<16384xi32, #tpu.memory_space<hbm>>, %arg5: memref<100000x128xf32, #tpu.memory_space<hbm>>, %arg6: memref<1000000x128xf32, #tpu.memory_space<hbm>>, %arg7: memref<1000x128xf32, #tpu.memory_space<hbm>>, %arg8: memref<16384x128xf32, #tpu.memory_space<hbm>>, %arg9: memref<16384x128xf32, #tpu.memory_space<hbm>>, %arg10: memref<16384x128xf32, #tpu.memory_space<hbm>>, %arg11: memref<512xi32, #tpu.memory_space<vmem>>, %arg12: memref<512xi32, #tpu.memory_space<vmem>>, %arg13: memref<512xi32, #tpu.memory_space<vmem>>, %arg14: memref<6x128x128xf32, #tpu.memory_space<vmem>>, %arg15: memref<!tpu.dma_semaphore, #tpu.memory_space<semaphore_mem>>, %arg16: memref<!tpu.dma_semaphore, #tpu.memory_space<semaphore_mem>>, %arg17: memref<!tpu.dma_semaphore, #tpu.memory_space<semaphore_mem>>) attributes {dimension_semantics = [#tpu.dimension_semantics<core_parallel>, #tpu.dimension_semantics<subcore_parallel>], iteration_bounds = array<i64: 2, 16>, scalar_prefetch = 0 : i64, scratch_operands = 7 : i64, tpu.core_type = #tpu.core_type<sc_vector_subcore>, window_params = [{transform_indices = #map}, {transform_indices = #map}, {transform_indices = #map}, {transform_indices = #map1}, {transform_indices = #map1}, {transform_indices = #map1}, {transform_indices = #map1}, {transform_indices = #map1}, {transform_indices = #map1}]} {
    %mul3A = arith.constant 2 : i32
    %mul3A_0 = arith.muli %arg1, %mul3A : i32
    %add3A = arith.addi %mul3A_0, %arg0 : i32
    %mul3A_1 = arith.constant 512 : i32
    %mul3A_2 = arith.muli %add3A, %mul3A_1 : i32
    %dma_start3A = tpu.memref_slice %arg2[%mul3A_2] : memref<16384xi32, #tpu.memory_space<hbm>> -> memref<512xi32, #tpu.memory_space<hbm>>
    %dma_start3A_3 = tpu.memref_slice %arg2[%mul3A_2] : memref<16384xi32, #tpu.memory_space<hbm>> -> memref<512xi32, #tpu.memory_space<hbm>>
    tpu.enqueue_dma source(%dma_start3A_3 : memref<512xi32, #tpu.memory_space<hbm>>) target(%arg11 : memref<512xi32, #tpu.memory_space<vmem>>) target_semaphore(%arg15 : memref<!tpu.dma_semaphore, #tpu.memory_space<semaphore_mem>>)
    %mul3A_4 = arith.constant 512 : i32
    %mul3A_5 = arith.muli %add3A, %mul3A_4 : i32
    %dma_start3A_6 = tpu.memref_slice %arg3[%mul3A_5] : memref<16384xi32, #tpu.memory_space<hbm>> -> memref<512xi32, #tpu.memory_space<hbm>>
    %dma_start3A_7 = tpu.memref_slice %arg3[%mul3A_5] : memref<16384xi32, #tpu.memory_space<hbm>> -> memref<512xi32, #tpu.memory_space<hbm>>
    tpu.enqueue_dma source(%dma_start3A_7 : memref<512xi32, #tpu.memory_space<hbm>>) target(%arg12 : memref<512xi32, #tpu.memory_space<vmem>>) target_semaphore(%arg15 : memref<!tpu.dma_semaphore, #tpu.memory_space<semaphore_mem>>)
    %mul3A_8 = arith.constant 512 : i32
    %mul3A_9 = arith.muli %add3A, %mul3A_8 : i32
    %dma_start3A_10 = tpu.memref_slice %arg4[%mul3A_9] : memref<16384xi32, #tpu.memory_space<hbm>> -> memref<512xi32, #tpu.memory_space<hbm>>
    %dma_start3A_11 = tpu.memref_slice %arg4[%mul3A_9] : memref<16384xi32, #tpu.memory_space<hbm>> -> memref<512xi32, #tpu.memory_space<hbm>>
    tpu.enqueue_dma source(%dma_start3A_11 : memref<512xi32, #tpu.memory_space<hbm>>) target(%arg13 : memref<512xi32, #tpu.memory_space<vmem>>) target_semaphore(%arg15 : memref<!tpu.dma_semaphore, #tpu.memory_space<semaphore_mem>>)
    %dma_wait3A = tpu.memref_slice %arg2[%mul3A_2] : memref<16384xi32, #tpu.memory_space<hbm>> -> memref<512xi32, #tpu.memory_space<hbm>>
    %dma_wait3A_12 = tpu.memref_slice %arg2[%mul3A_2] : memref<16384xi32, #tpu.memory_space<hbm>> -> memref<512xi32, #tpu.memory_space<hbm>>
    tpu.wait_dma2 semaphore(%arg15 : memref<!tpu.dma_semaphore, #tpu.memory_space<semaphore_mem>>) src(%dma_wait3A_12 : memref<512xi32, #tpu.memory_space<hbm>>) dst(%arg11 : memref<512xi32, #tpu.memory_space<vmem>>)
    %dma_wait3A_13 = tpu.memref_slice %arg3[%mul3A_5] : memref<16384xi32, #tpu.memory_space<hbm>> -> memref<512xi32, #tpu.memory_space<hbm>>
    %dma_wait3A_14 = tpu.memref_slice %arg3[%mul3A_5] : memref<16384xi32, #tpu.memory_space<hbm>> -> memref<512xi32, #tpu.memory_space<hbm>>
    tpu.wait_dma2 semaphore(%arg15 : memref<!tpu.dma_semaphore, #tpu.memory_space<semaphore_mem>>) src(%dma_wait3A_14 : memref<512xi32, #tpu.memory_space<hbm>>) dst(%arg12 : memref<512xi32, #tpu.memory_space<vmem>>)
    %dma_wait3A_15 = tpu.memref_slice %arg4[%mul3A_9] : memref<16384xi32, #tpu.memory_space<hbm>> -> memref<512xi32, #tpu.memory_space<hbm>>
    %dma_wait3A_16 = tpu.memref_slice %arg4[%mul3A_9] : memref<16384xi32, #tpu.memory_space<hbm>> -> memref<512xi32, #tpu.memory_space<hbm>>
    tpu.wait_dma2 semaphore(%arg15 : memref<!tpu.dma_semaphore, #tpu.memory_space<semaphore_mem>>) src(%dma_wait3A_16 : memref<512xi32, #tpu.memory_space<hbm>>) dst(%arg13 : memref<512xi32, #tpu.memory_space<vmem>>)
    %dma_start3A_17 = arith.constant 0 : i32
    %dma_start3A_18 = arith.constant 0 : i32
    %dma_start3A_19 = arith.constant 0 : i32
    %dma_start3A_20 = tpu.memref_slice %arg14[%dma_start3A_17, %dma_start3A_18, %dma_start3A_19] : memref<6x128x128xf32, #tpu.memory_space<vmem>> -> memref<1x128x128xf32, #tpu.memory_space<vmem>>
    %dma_start3A_21 = tpu.memref_squeeze %dma_start3A_20 : memref<1x128x128xf32, #tpu.memory_space<vmem>> -> memref<128x128xf32, #tpu.memory_space<vmem>>
    %dma_start3A_22 = arith.constant 0 : i32
    %dma_start3A_23 = tpu.memref_slice %arg11[%dma_start3A_22] : memref<512xi32, #tpu.memory_space<vmem>> -> memref<128xi32, #tpu.memory_space<vmem>>
    %dma_start3A_24 = arith.constant 0 : i32
    %dma_start3A_25 = arith.constant 0 : i32
    %dma_start3A_26 = tpu.memref_slice %arg5[%dma_start3A_24, %dma_start3A_25] : memref<100000x128xf32, #tpu.memory_space<hbm>> -> memref<100000x128xf32, #tpu.memory_space<hbm>>
    tpu.enqueue_indirect_dma source(%dma_start3A_26 : memref<100000x128xf32, #tpu.memory_space<hbm>>) target(%dma_start3A_21 : memref<128x128xf32, #tpu.memory_space<vmem>>) offsets(%dma_start3A_23 : memref<128xi32, #tpu.memory_space<vmem>>) semaphore(%arg16 : memref<!tpu.dma_semaphore, #tpu.memory_space<semaphore_mem>>)
    %dma_start3A_27 = arith.constant 1 : i32
    %dma_start3A_28 = arith.constant 0 : i32
    %dma_start3A_29 = arith.constant 0 : i32
    %dma_start3A_30 = tpu.memref_slice %arg14[%dma_start3A_27, %dma_start3A_28, %dma_start3A_29] : memref<6x128x128xf32, #tpu.memory_space<vmem>> -> memref<1x128x128xf32, #tpu.memory_space<vmem>>
    %dma_start3A_31 = tpu.memref_squeeze %dma_start3A_30 : memref<1x128x128xf32, #tpu.memory_space<vmem>> -> memref<128x128xf32, #tpu.memory_space<vmem>>
    %dma_start3A_32 = arith.constant 0 : i32
    %dma_start3A_33 = tpu.memref_slice %arg12[%dma_start3A_32] : memref<512xi32, #tpu.memory_space<vmem>> -> memref<128xi32, #tpu.memory_space<vmem>>
    %dma_start3A_34 = arith.constant 0 : i32
    %dma_start3A_35 = arith.constant 0 : i32
    %dma_start3A_36 = tpu.memref_slice %arg6[%dma_start3A_34, %dma_start3A_35] : memref<1000000x128xf32, #tpu.memory_space<hbm>> -> memref<1000000x128xf32, #tpu.memory_space<hbm>>
    tpu.enqueue_indirect_dma source(%dma_start3A_36 : memref<1000000x128xf32, #tpu.memory_space<hbm>>) target(%dma_start3A_31 : memref<128x128xf32, #tpu.memory_space<vmem>>) offsets(%dma_start3A_33 : memref<128xi32, #tpu.memory_space<vmem>>) semaphore(%arg16 : memref<!tpu.dma_semaphore, #tpu.memory_space<semaphore_mem>>)
    %dma_wait3A_37 = arith.constant 0 : i32
    %dma_wait3A_38 = arith.constant 0 : i32
    %dma_wait3A_39 = arith.constant 0 : i32
    %dma_wait3A_40 = tpu.memref_slice %arg14[%dma_wait3A_37, %dma_wait3A_38, %dma_wait3A_39] : memref<6x128x128xf32, #tpu.memory_space<vmem>> -> memref<1x128x128xf32, #tpu.memory_space<vmem>>
    %dma_wait3A_41 = tpu.memref_squeeze %dma_wait3A_40 : memref<1x128x128xf32, #tpu.memory_space<vmem>> -> memref<128x128xf32, #tpu.memory_space<vmem>>
    %dma_wait3A_42 = arith.constant 0 : i32
    %dma_wait3A_43 = tpu.memref_slice %arg11[%dma_wait3A_42] : memref<512xi32, #tpu.memory_space<vmem>> -> memref<128xi32, #tpu.memory_space<vmem>>
    %dma_wait3A_44 = arith.constant 0 : i32
    %dma_wait3A_45 = arith.constant 0 : i32
    %dma_wait3A_46 = tpu.memref_slice %arg5[%dma_wait3A_44, %dma_wait3A_45] : memref<100000x128xf32, #tpu.memory_space<hbm>> -> memref<100000x128xf32, #tpu.memory_space<hbm>>
    tpu.wait_indirect_dma semaphore(%arg16 : memref<!tpu.dma_semaphore, #tpu.memory_space<semaphore_mem>>) src(%dma_wait3A_46 : memref<100000x128xf32, #tpu.memory_space<hbm>>) dst(%dma_wait3A_41 : memref<128x128xf32, #tpu.memory_space<vmem>>)
    %mul3A_47 = arith.constant 4 : i32
    %mul3A_48 = arith.muli %add3A, %mul3A_47 : i32
    %add3A_49 = arith.constant 0 : i32
    %add3A_50 = arith.addi %mul3A_48, %add3A_49 : i32
    %mul3A_51 = arith.constant 128 : i32
    %mul3A_52 = arith.muli %add3A_50, %mul3A_51 : i32
    %dma_start3A_53 = arith.constant 0 : i32
    %dma_start3A_54 = arith.constant 0 : i32
    %dma_start3A_55 = arith.constant 0 : i32
    %dma_start3A_56 = tpu.memref_slice %arg14[%dma_start3A_53, %dma_start3A_54, %dma_start3A_55] : memref<6x128x128xf32, #tpu.memory_space<vmem>> -> memref<1x128x128xf32, #tpu.memory_space<vmem>>
    %dma_start3A_57 = tpu.memref_squeeze %dma_start3A_56 : memref<1x128x128xf32, #tpu.memory_space<vmem>> -> memref<128x128xf32, #tpu.memory_space<vmem>>
    %dma_start3A_58 = arith.constant 0 : i32
    %dma_start3A_59 = tpu.memref_slice %arg8[%mul3A_52, %dma_start3A_58] : memref<16384x128xf32, #tpu.memory_space<hbm>> -> memref<128x128xf32, #tpu.memory_space<hbm>>
    %dma_start3A_60 = arith.constant 0 : i32
    %dma_start3A_61 = tpu.memref_slice %arg8[%mul3A_52, %dma_start3A_60] : memref<16384x128xf32, #tpu.memory_space<hbm>> -> memref<128x128xf32, #tpu.memory_space<hbm>>
    %dma_start3A_62 = arith.constant 0 : i32
    %dma_start3A_63 = arith.constant 0 : i32
    %dma_start3A_64 = tpu.memref_slice %arg14[%dma_start3A_53, %dma_start3A_62, %dma_start3A_63] : memref<6x128x128xf32, #tpu.memory_space<vmem>> -> memref<1x128x128xf32, #tpu.memory_space<vmem>>
    %dma_start3A_65 = tpu.memref_squeeze %dma_start3A_64 : memref<1x128x128xf32, #tpu.memory_space<vmem>> -> memref<128x128xf32, #tpu.memory_space<vmem>>
    tpu.enqueue_dma source(%dma_start3A_65 : memref<128x128xf32, #tpu.memory_space<vmem>>) target(%dma_start3A_61 : memref<128x128xf32, #tpu.memory_space<hbm>>) target_semaphore(%arg17 : memref<!tpu.dma_semaphore, #tpu.memory_space<semaphore_mem>>)
    %dma_start3A_66 = arith.constant 2 : i32
    %dma_start3A_67 = arith.constant 0 : i32
    %dma_start3A_68 = arith.constant 0 : i32
    %dma_start3A_69 = tpu.memref_slice %arg14[%dma_start3A_66, %dma_start3A_67, %dma_start3A_68] : memref<6x128x128xf32, #tpu.memory_space<vmem>> -> memref<1x128x128xf32, #tpu.memory_space<vmem>>
    %dma_start3A_70 = tpu.memref_squeeze %dma_start3A_69 : memref<1x128x128xf32, #tpu.memory_space<vmem>> -> memref<128x128xf32, #tpu.memory_space<vmem>>
    %dma_start3A_71 = arith.constant 0 : i32
    %dma_start3A_72 = tpu.memref_slice %arg13[%dma_start3A_71] : memref<512xi32, #tpu.memory_space<vmem>> -> memref<128xi32, #tpu.memory_space<vmem>>
    %dma_start3A_73 = arith.constant 0 : i32
    %dma_start3A_74 = arith.constant 0 : i32
    %dma_start3A_75 = tpu.memref_slice %arg7[%dma_start3A_73, %dma_start3A_74] : memref<1000x128xf32, #tpu.memory_space<hbm>> -> memref<1000x128xf32, #tpu.memory_space<hbm>>
    tpu.enqueue_indirect_dma source(%dma_start3A_75 : memref<1000x128xf32, #tpu.memory_space<hbm>>) target(%dma_start3A_70 : memref<128x128xf32, #tpu.memory_space<vmem>>) offsets(%dma_start3A_72 : memref<128xi32, #tpu.memory_space<vmem>>) semaphore(%arg16 : memref<!tpu.dma_semaphore, #tpu.memory_space<semaphore_mem>>)
    %dma_wait3A_76 = arith.constant 1 : i32
    %dma_wait3A_77 = arith.constant 0 : i32
    %dma_wait3A_78 = arith.constant 0 : i32
    %dma_wait3A_79 = tpu.memref_slice %arg14[%dma_wait3A_76, %dma_wait3A_77, %dma_wait3A_78] : memref<6x128x128xf32, #tpu.memory_space<vmem>> -> memref<1x128x128xf32, #tpu.memory_space<vmem>>
    %dma_wait3A_80 = tpu.memref_squeeze %dma_wait3A_79 : memref<1x128x128xf32, #tpu.memory_space<vmem>> -> memref<128x128xf32, #tpu.memory_space<vmem>>
    %dma_wait3A_81 = arith.constant 0 : i32
    %dma_wait3A_82 = tpu.memref_slice %arg12[%dma_wait3A_81] : memref<512xi32, #tpu.memory_space<vmem>> -> memref<128xi32, #tpu.memory_space<vmem>>
    %dma_wait3A_83 = arith.constant 0 : i32
    %dma_wait3A_84 = arith.constant 0 : i32
    %dma_wait3A_85 = tpu.memref_slice %arg6[%dma_wait3A_83, %dma_wait3A_84] : memref<1000000x128xf32, #tpu.memory_space<hbm>> -> memref<1000000x128xf32, #tpu.memory_space<hbm>>
    tpu.wait_indirect_dma semaphore(%arg16 : memref<!tpu.dma_semaphore, #tpu.memory_space<semaphore_mem>>) src(%dma_wait3A_85 : memref<1000000x128xf32, #tpu.memory_space<hbm>>) dst(%dma_wait3A_80 : memref<128x128xf32, #tpu.memory_space<vmem>>)
    %mul3A_86 = arith.constant 4 : i32
    %mul3A_87 = arith.muli %add3A, %mul3A_86 : i32
    %add3A_88 = arith.constant 0 : i32
    %add3A_89 = arith.addi %mul3A_87, %add3A_88 : i32
    %mul3A_90 = arith.constant 128 : i32
    %mul3A_91 = arith.muli %add3A_89, %mul3A_90 : i32
    %dma_start3A_92 = arith.constant 1 : i32
    %dma_start3A_93 = arith.constant 0 : i32
    %dma_start3A_94 = arith.constant 0 : i32
    %dma_start3A_95 = tpu.memref_slice %arg14[%dma_start3A_92, %dma_start3A_93, %dma_start3A_94] : memref<6x128x128xf32, #tpu.memory_space<vmem>> -> memref<1x128x128xf32, #tpu.memory_space<vmem>>
    %dma_start3A_96 = tpu.memref_squeeze %dma_start3A_95 : memref<1x128x128xf32, #tpu.memory_space<vmem>> -> memref<128x128xf32, #tpu.memory_space<vmem>>
    %dma_start3A_97 = arith.constant 0 : i32
    %dma_start3A_98 = tpu.memref_slice %arg9[%mul3A_91, %dma_start3A_97] : memref<16384x128xf32, #tpu.memory_space<hbm>> -> memref<128x128xf32, #tpu.memory_space<hbm>>
    %dma_start3A_99 = arith.constant 0 : i32
    %dma_start3A_100 = tpu.memref_slice %arg9[%mul3A_91, %dma_start3A_99] : memref<16384x128xf32, #tpu.memory_space<hbm>> -> memref<128x128xf32, #tpu.memory_space<hbm>>
    %dma_start3A_101 = arith.constant 0 : i32
    %dma_start3A_102 = arith.constant 0 : i32
    %dma_start3A_103 = tpu.memref_slice %arg14[%dma_start3A_92, %dma_start3A_101, %dma_start3A_102] : memref<6x128x128xf32, #tpu.memory_space<vmem>> -> memref<1x128x128xf32, #tpu.memory_space<vmem>>
    %dma_start3A_104 = tpu.memref_squeeze %dma_start3A_103 : memref<1x128x128xf32, #tpu.memory_space<vmem>> -> memref<128x128xf32, #tpu.memory_space<vmem>>
    tpu.enqueue_dma source(%dma_start3A_104 : memref<128x128xf32, #tpu.memory_space<vmem>>) target(%dma_start3A_100 : memref<128x128xf32, #tpu.memory_space<hbm>>) target_semaphore(%arg17 : memref<!tpu.dma_semaphore, #tpu.memory_space<semaphore_mem>>)
    %dma_start3A_105 = arith.constant 3 : i32
    %dma_start3A_106 = arith.constant 0 : i32
    %dma_start3A_107 = arith.constant 0 : i32
    %dma_start3A_108 = tpu.memref_slice %arg14[%dma_start3A_105, %dma_start3A_106, %dma_start3A_107] : memref<6x128x128xf32, #tpu.memory_space<vmem>> -> memref<1x128x128xf32, #tpu.memory_space<vmem>>
    %dma_start3A_109 = tpu.memref_squeeze %dma_start3A_108 : memref<1x128x128xf32, #tpu.memory_space<vmem>> -> memref<128x128xf32, #tpu.memory_space<vmem>>
    %dma_start3A_110 = arith.constant 128 : i32
    %dma_start3A_111 = tpu.memref_slice %arg11[%dma_start3A_110] : memref<512xi32, #tpu.memory_space<vmem>> -> memref<128xi32, #tpu.memory_space<vmem>>
    %dma_start3A_112 = arith.constant 0 : i32
    %dma_start3A_113 = arith.constant 0 : i32
    %dma_start3A_114 = tpu.memref_slice %arg5[%dma_start3A_112, %dma_start3A_113] : memref<100000x128xf32, #tpu.memory_space<hbm>> -> memref<100000x128xf32, #tpu.memory_space<hbm>>
    tpu.enqueue_indirect_dma source(%dma_start3A_114 : memref<100000x128xf32, #tpu.memory_space<hbm>>) target(%dma_start3A_109 : memref<128x128xf32, #tpu.memory_space<vmem>>) offsets(%dma_start3A_111 : memref<128xi32, #tpu.memory_space<vmem>>) semaphore(%arg16 : memref<!tpu.dma_semaphore, #tpu.memory_space<semaphore_mem>>)
    %dma_wait3A_115 = arith.constant 2 : i32
    %dma_wait3A_116 = arith.constant 0 : i32
    %dma_wait3A_117 = arith.constant 0 : i32
    %dma_wait3A_118 = tpu.memref_slice %arg14[%dma_wait3A_115, %dma_wait3A_116, %dma_wait3A_117] : memref<6x128x128xf32, #tpu.memory_space<vmem>> -> memref<1x128x128xf32, #tpu.memory_space<vmem>>
    %dma_wait3A_119 = tpu.memref_squeeze %dma_wait3A_118 : memref<1x128x128xf32, #tpu.memory_space<vmem>> -> memref<128x128xf32, #tpu.memory_space<vmem>>
    %dma_wait3A_120 = arith.constant 0 : i32
    %dma_wait3A_121 = tpu.memref_slice %arg13[%dma_wait3A_120] : memref<512xi32, #tpu.memory_space<vmem>> -> memref<128xi32, #tpu.memory_space<vmem>>
    %dma_wait3A_122 = arith.constant 0 : i32
    %dma_wait3A_123 = arith.constant 0 : i32
    %dma_wait3A_124 = tpu.memref_slice %arg7[%dma_wait3A_122, %dma_wait3A_123] : memref<1000x128xf32, #tpu.memory_space<hbm>> -> memref<1000x128xf32, #tpu.memory_space<hbm>>
    tpu.wait_indirect_dma semaphore(%arg16 : memref<!tpu.dma_semaphore, #tpu.memory_space<semaphore_mem>>) src(%dma_wait3A_124 : memref<1000x128xf32, #tpu.memory_space<hbm>>) dst(%dma_wait3A_119 : memref<128x128xf32, #tpu.memory_space<vmem>>)
    %mul3A_125 = arith.constant 4 : i32
    %mul3A_126 = arith.muli %add3A, %mul3A_125 : i32
    %add3A_127 = arith.constant 0 : i32
    %add3A_128 = arith.addi %mul3A_126, %add3A_127 : i32
    %mul3A_129 = arith.constant 128 : i32
    %mul3A_130 = arith.muli %add3A_128, %mul3A_129 : i32
    %dma_start3A_131 = arith.constant 2 : i32
    %dma_start3A_132 = arith.constant 0 : i32
    %dma_start3A_133 = arith.constant 0 : i32
    %dma_start3A_134 = tpu.memref_slice %arg14[%dma_start3A_131, %dma_start3A_132, %dma_start3A_133] : memref<6x128x128xf32, #tpu.memory_space<vmem>> -> memref<1x128x128xf32, #tpu.memory_space<vmem>>
    %dma_start3A_135 = tpu.memref_squeeze %dma_start3A_134 : memref<1x128x128xf32, #tpu.memory_space<vmem>> -> memref<128x128xf32, #tpu.memory_space<vmem>>
    %dma_start3A_136 = arith.constant 0 : i32
    %dma_start3A_137 = tpu.memref_slice %arg10[%mul3A_130, %dma_start3A_136] : memref<16384x128xf32, #tpu.memory_space<hbm>> -> memref<128x128xf32, #tpu.memory_space<hbm>>
    %dma_start3A_138 = arith.constant 0 : i32
    %dma_start3A_139 = tpu.memref_slice %arg10[%mul3A_130, %dma_start3A_138] : memref<16384x128xf32, #tpu.memory_space<hbm>> -> memref<128x128xf32, #tpu.memory_space<hbm>>
    %dma_start3A_140 = arith.constant 0 : i32
    %dma_start3A_141 = arith.constant 0 : i32
    %dma_start3A_142 = tpu.memref_slice %arg14[%dma_start3A_131, %dma_start3A_140, %dma_start3A_141] : memref<6x128x128xf32, #tpu.memory_space<vmem>> -> memref<1x128x128xf32, #tpu.memory_space<vmem>>
    %dma_start3A_143 = tpu.memref_squeeze %dma_start3A_142 : memref<1x128x128xf32, #tpu.memory_space<vmem>> -> memref<128x128xf32, #tpu.memory_space<vmem>>
    tpu.enqueue_dma source(%dma_start3A_143 : memref<128x128xf32, #tpu.memory_space<vmem>>) target(%dma_start3A_139 : memref<128x128xf32, #tpu.memory_space<hbm>>) target_semaphore(%arg17 : memref<!tpu.dma_semaphore, #tpu.memory_space<semaphore_mem>>)
    %dma_start3A_144 = arith.constant 4 : i32
    %dma_start3A_145 = arith.constant 0 : i32
    %dma_start3A_146 = arith.constant 0 : i32
    %dma_start3A_147 = tpu.memref_slice %arg14[%dma_start3A_144, %dma_start3A_145, %dma_start3A_146] : memref<6x128x128xf32, #tpu.memory_space<vmem>> -> memref<1x128x128xf32, #tpu.memory_space<vmem>>
    %dma_start3A_148 = tpu.memref_squeeze %dma_start3A_147 : memref<1x128x128xf32, #tpu.memory_space<vmem>> -> memref<128x128xf32, #tpu.memory_space<vmem>>
    %dma_start3A_149 = arith.constant 128 : i32
    %dma_start3A_150 = tpu.memref_slice %arg12[%dma_start3A_149] : memref<512xi32, #tpu.memory_space<vmem>> -> memref<128xi32, #tpu.memory_space<vmem>>
    %dma_start3A_151 = arith.constant 0 : i32
    %dma_start3A_152 = arith.constant 0 : i32
    %dma_start3A_153 = tpu.memref_slice %arg6[%dma_start3A_151, %dma_start3A_152] : memref<1000000x128xf32, #tpu.memory_space<hbm>> -> memref<1000000x128xf32, #tpu.memory_space<hbm>>
    tpu.enqueue_indirect_dma source(%dma_start3A_153 : memref<1000000x128xf32, #tpu.memory_space<hbm>>) target(%dma_start3A_148 : memref<128x128xf32, #tpu.memory_space<vmem>>) offsets(%dma_start3A_150 : memref<128xi32, #tpu.memory_space<vmem>>) semaphore(%arg16 : memref<!tpu.dma_semaphore, #tpu.memory_space<semaphore_mem>>)
    %dma_wait3A_154 = arith.constant 3 : i32
    %dma_wait3A_155 = arith.constant 0 : i32
    %dma_wait3A_156 = arith.constant 0 : i32
    %dma_wait3A_157 = tpu.memref_slice %arg14[%dma_wait3A_154, %dma_wait3A_155, %dma_wait3A_156] : memref<6x128x128xf32, #tpu.memory_space<vmem>> -> memref<1x128x128xf32, #tpu.memory_space<vmem>>
    %dma_wait3A_158 = tpu.memref_squeeze %dma_wait3A_157 : memref<1x128x128xf32, #tpu.memory_space<vmem>> -> memref<128x128xf32, #tpu.memory_space<vmem>>
    %dma_wait3A_159 = arith.constant 128 : i32
    %dma_wait3A_160 = tpu.memref_slice %arg11[%dma_wait3A_159] : memref<512xi32, #tpu.memory_space<vmem>> -> memref<128xi32, #tpu.memory_space<vmem>>
    %dma_wait3A_161 = arith.constant 0 : i32
    %dma_wait3A_162 = arith.constant 0 : i32
    %dma_wait3A_163 = tpu.memref_slice %arg5[%dma_wait3A_161, %dma_wait3A_162] : memref<100000x128xf32, #tpu.memory_space<hbm>> -> memref<100000x128xf32, #tpu.memory_space<hbm>>
    tpu.wait_indirect_dma semaphore(%arg16 : memref<!tpu.dma_semaphore, #tpu.memory_space<semaphore_mem>>) src(%dma_wait3A_163 : memref<100000x128xf32, #tpu.memory_space<hbm>>) dst(%dma_wait3A_158 : memref<128x128xf32, #tpu.memory_space<vmem>>)
    %mul3A_164 = arith.constant 4 : i32
    %mul3A_165 = arith.muli %add3A, %mul3A_164 : i32
    %add3A_166 = arith.constant 1 : i32
    %add3A_167 = arith.addi %mul3A_165, %add3A_166 : i32
    %mul3A_168 = arith.constant 128 : i32
    %mul3A_169 = arith.muli %add3A_167, %mul3A_168 : i32
    %dma_start3A_170 = arith.constant 3 : i32
    %dma_start3A_171 = arith.constant 0 : i32
    %dma_start3A_172 = arith.constant 0 : i32
    %dma_start3A_173 = tpu.memref_slice %arg14[%dma_start3A_170, %dma_start3A_171, %dma_start3A_172] : memref<6x128x128xf32, #tpu.memory_space<vmem>> -> memref<1x128x128xf32, #tpu.memory_space<vmem>>
    %dma_start3A_174 = tpu.memref_squeeze %dma_start3A_173 : memref<1x128x128xf32, #tpu.memory_space<vmem>> -> memref<128x128xf32, #tpu.memory_space<vmem>>
    %dma_start3A_175 = arith.constant 0 : i32
    %dma_start3A_176 = tpu.memref_slice %arg8[%mul3A_169, %dma_start3A_175] : memref<16384x128xf32, #tpu.memory_space<hbm>> -> memref<128x128xf32, #tpu.memory_space<hbm>>
    %dma_start3A_177 = arith.constant 0 : i32
    %dma_start3A_178 = tpu.memref_slice %arg8[%mul3A_169, %dma_start3A_177] : memref<16384x128xf32, #tpu.memory_space<hbm>> -> memref<128x128xf32, #tpu.memory_space<hbm>>
    %dma_start3A_179 = arith.constant 0 : i32
    %dma_start3A_180 = arith.constant 0 : i32
    %dma_start3A_181 = tpu.memref_slice %arg14[%dma_start3A_170, %dma_start3A_179, %dma_start3A_180] : memref<6x128x128xf32, #tpu.memory_space<vmem>> -> memref<1x128x128xf32, #tpu.memory_space<vmem>>
    %dma_start3A_182 = tpu.memref_squeeze %dma_start3A_181 : memref<1x128x128xf32, #tpu.memory_space<vmem>> -> memref<128x128xf32, #tpu.memory_space<vmem>>
    tpu.enqueue_dma source(%dma_start3A_182 : memref<128x128xf32, #tpu.memory_space<vmem>>) target(%dma_start3A_178 : memref<128x128xf32, #tpu.memory_space<hbm>>) target_semaphore(%arg17 : memref<!tpu.dma_semaphore, #tpu.memory_space<semaphore_mem>>)
    %dma_start3A_183 = arith.constant 5 : i32
    %dma_start3A_184 = arith.constant 0 : i32
    %dma_start3A_185 = arith.constant 0 : i32
    %dma_start3A_186 = tpu.memref_slice %arg14[%dma_start3A_183, %dma_start3A_184, %dma_start3A_185] : memref<6x128x128xf32, #tpu.memory_space<vmem>> -> memref<1x128x128xf32, #tpu.memory_space<vmem>>
    %dma_start3A_187 = tpu.memref_squeeze %dma_start3A_186 : memref<1x128x128xf32, #tpu.memory_space<vmem>> -> memref<128x128xf32, #tpu.memory_space<vmem>>
    %dma_start3A_188 = arith.constant 128 : i32
    %dma_start3A_189 = tpu.memref_slice %arg13[%dma_start3A_188] : memref<512xi32, #tpu.memory_space<vmem>> -> memref<128xi32, #tpu.memory_space<vmem>>
    %dma_start3A_190 = arith.constant 0 : i32
    %dma_start3A_191 = arith.constant 0 : i32
    %dma_start3A_192 = tpu.memref_slice %arg7[%dma_start3A_190, %dma_start3A_191] : memref<1000x128xf32, #tpu.memory_space<hbm>> -> memref<1000x128xf32, #tpu.memory_space<hbm>>
    tpu.enqueue_indirect_dma source(%dma_start3A_192 : memref<1000x128xf32, #tpu.memory_space<hbm>>) target(%dma_start3A_187 : memref<128x128xf32, #tpu.memory_space<vmem>>) offsets(%dma_start3A_189 : memref<128xi32, #tpu.memory_space<vmem>>) semaphore(%arg16 : memref<!tpu.dma_semaphore, #tpu.memory_space<semaphore_mem>>)
    %dma_wait3A_193 = arith.constant 4 : i32
    %dma_wait3A_194 = arith.constant 0 : i32
    %dma_wait3A_195 = arith.constant 0 : i32
    %dma_wait3A_196 = tpu.memref_slice %arg14[%dma_wait3A_193, %dma_wait3A_194, %dma_wait3A_195] : memref<6x128x128xf32, #tpu.memory_space<vmem>> -> memref<1x128x128xf32, #tpu.memory_space<vmem>>
    %dma_wait3A_197 = tpu.memref_squeeze %dma_wait3A_196 : memref<1x128x128xf32, #tpu.memory_space<vmem>> -> memref<128x128xf32, #tpu.memory_space<vmem>>
    %dma_wait3A_198 = arith.constant 128 : i32
    %dma_wait3A_199 = tpu.memref_slice %arg12[%dma_wait3A_198] : memref<512xi32, #tpu.memory_space<vmem>> -> memref<128xi32, #tpu.memory_space<vmem>>
    %dma_wait3A_200 = arith.constant 0 : i32
    %dma_wait3A_201 = arith.constant 0 : i32
    %dma_wait3A_202 = tpu.memref_slice %arg6[%dma_wait3A_200, %dma_wait3A_201] : memref<1000000x128xf32, #tpu.memory_space<hbm>> -> memref<1000000x128xf32, #tpu.memory_space<hbm>>
    tpu.wait_indirect_dma semaphore(%arg16 : memref<!tpu.dma_semaphore, #tpu.memory_space<semaphore_mem>>) src(%dma_wait3A_202 : memref<1000000x128xf32, #tpu.memory_space<hbm>>) dst(%dma_wait3A_197 : memref<128x128xf32, #tpu.memory_space<vmem>>)
    %mul3A_203 = arith.constant 4 : i32
    %mul3A_204 = arith.muli %add3A, %mul3A_203 : i32
    %add3A_205 = arith.constant 1 : i32
    %add3A_206 = arith.addi %mul3A_204, %add3A_205 : i32
    %mul3A_207 = arith.constant 128 : i32
    %mul3A_208 = arith.muli %add3A_206, %mul3A_207 : i32
    %dma_start3A_209 = arith.constant 4 : i32
    %dma_start3A_210 = arith.constant 0 : i32
    %dma_start3A_211 = arith.constant 0 : i32
    %dma_start3A_212 = tpu.memref_slice %arg14[%dma_start3A_209, %dma_start3A_210, %dma_start3A_211] : memref<6x128x128xf32, #tpu.memory_space<vmem>> -> memref<1x128x128xf32, #tpu.memory_space<vmem>>
    %dma_start3A_213 = tpu.memref_squeeze %dma_start3A_212 : memref<1x128x128xf32, #tpu.memory_space<vmem>> -> memref<128x128xf32, #tpu.memory_space<vmem>>
    %dma_start3A_214 = arith.constant 0 : i32
    %dma_start3A_215 = tpu.memref_slice %arg9[%mul3A_208, %dma_start3A_214] : memref<16384x128xf32, #tpu.memory_space<hbm>> -> memref<128x128xf32, #tpu.memory_space<hbm>>
    %dma_start3A_216 = arith.constant 0 : i32
    %dma_start3A_217 = tpu.memref_slice %arg9[%mul3A_208, %dma_start3A_216] : memref<16384x128xf32, #tpu.memory_space<hbm>> -> memref<128x128xf32, #tpu.memory_space<hbm>>
    %dma_start3A_218 = arith.constant 0 : i32
    %dma_start3A_219 = arith.constant 0 : i32
    %dma_start3A_220 = tpu.memref_slice %arg14[%dma_start3A_209, %dma_start3A_218, %dma_start3A_219] : memref<6x128x128xf32, #tpu.memory_space<vmem>> -> memref<1x128x128xf32, #tpu.memory_space<vmem>>
    %dma_start3A_221 = tpu.memref_squeeze %dma_start3A_220 : memref<1x128x128xf32, #tpu.memory_space<vmem>> -> memref<128x128xf32, #tpu.memory_space<vmem>>
    tpu.enqueue_dma source(%dma_start3A_221 : memref<128x128xf32, #tpu.memory_space<vmem>>) target(%dma_start3A_217 : memref<128x128xf32, #tpu.memory_space<hbm>>) target_semaphore(%arg17 : memref<!tpu.dma_semaphore, #tpu.memory_space<semaphore_mem>>)
    %dma_wait3A_222 = arith.constant 0 : i32
    %dma_wait3A_223 = arith.constant 0 : i32
    %dma_wait3A_224 = arith.constant 0 : i32
    %dma_wait3A_225 = tpu.memref_slice %arg14[%dma_wait3A_222, %dma_wait3A_223, %dma_wait3A_224] : memref<6x128x128xf32, #tpu.memory_space<vmem>> -> memref<1x128x128xf32, #tpu.memory_space<vmem>>
    %dma_wait3A_226 = tpu.memref_squeeze %dma_wait3A_225 : memref<1x128x128xf32, #tpu.memory_space<vmem>> -> memref<128x128xf32, #tpu.memory_space<vmem>>
    %dma_wait3A_227 = arith.constant 0 : i32
    %dma_wait3A_228 = tpu.memref_slice %arg8[%mul3A_52, %dma_wait3A_227] : memref<16384x128xf32, #tpu.memory_space<hbm>> -> memref<128x128xf32, #tpu.memory_space<hbm>>
    %dma_wait3A_229 = arith.constant 0 : i32
    %dma_wait3A_230 = tpu.memref_slice %arg8[%mul3A_52, %dma_wait3A_229] : memref<16384x128xf32, #tpu.memory_space<hbm>> -> memref<128x128xf32, #tpu.memory_space<hbm>>
    %dma_wait3A_231 = arith.constant 0 : i32
    %dma_wait3A_232 = arith.constant 0 : i32
    %dma_wait3A_233 = tpu.memref_slice %arg14[%dma_wait3A_222, %dma_wait3A_231, %dma_wait3A_232] : memref<6x128x128xf32, #tpu.memory_space<vmem>> -> memref<1x128x128xf32, #tpu.memory_space<vmem>>
    %dma_wait3A_234 = tpu.memref_squeeze %dma_wait3A_233 : memref<1x128x128xf32, #tpu.memory_space<vmem>> -> memref<128x128xf32, #tpu.memory_space<vmem>>
    tpu.wait_dma2 semaphore(%arg17 : memref<!tpu.dma_semaphore, #tpu.memory_space<semaphore_mem>>) src(%dma_wait3A_234 : memref<128x128xf32, #tpu.memory_space<vmem>>) dst(%dma_wait3A_230 : memref<128x128xf32, #tpu.memory_space<hbm>>)
    %dma_start3A_235 = arith.constant 0 : i32
    %dma_start3A_236 = arith.constant 0 : i32
    %dma_start3A_237 = arith.constant 0 : i32
    %dma_start3A_238 = tpu.memref_slice %arg14[%dma_start3A_235, %dma_start3A_236, %dma_start3A_237] : memref<6x128x128xf32, #tpu.memory_space<vmem>> -> memref<1x128x128xf32, #tpu.memory_space<vmem>>
    %dma_start3A_239 = tpu.memref_squeeze %dma_start3A_238 : memref<1x128x128xf32, #tpu.memory_space<vmem>> -> memref<128x128xf32, #tpu.memory_space<vmem>>
    %dma_start3A_240 = arith.constant 256 : i32
    %dma_start3A_241 = tpu.memref_slice %arg11[%dma_start3A_240] : memref<512xi32, #tpu.memory_space<vmem>> -> memref<128xi32, #tpu.memory_space<vmem>>
    %dma_start3A_242 = arith.constant 0 : i32
    %dma_start3A_243 = arith.constant 0 : i32
    %dma_start3A_244 = tpu.memref_slice %arg5[%dma_start3A_242, %dma_start3A_243] : memref<100000x128xf32, #tpu.memory_space<hbm>> -> memref<100000x128xf32, #tpu.memory_space<hbm>>
    tpu.enqueue_indirect_dma source(%dma_start3A_244 : memref<100000x128xf32, #tpu.memory_space<hbm>>) target(%dma_start3A_239 : memref<128x128xf32, #tpu.memory_space<vmem>>) offsets(%dma_start3A_241 : memref<128xi32, #tpu.memory_space<vmem>>) semaphore(%arg16 : memref<!tpu.dma_semaphore, #tpu.memory_space<semaphore_mem>>)
    %dma_wait3A_245 = arith.constant 5 : i32
    %dma_wait3A_246 = arith.constant 0 : i32
    %dma_wait3A_247 = arith.constant 0 : i32
    %dma_wait3A_248 = tpu.memref_slice %arg14[%dma_wait3A_245, %dma_wait3A_246, %dma_wait3A_247] : memref<6x128x128xf32, #tpu.memory_space<vmem>> -> memref<1x128x128xf32, #tpu.memory_space<vmem>>
    %dma_wait3A_249 = tpu.memref_squeeze %dma_wait3A_248 : memref<1x128x128xf32, #tpu.memory_space<vmem>> -> memref<128x128xf32, #tpu.memory_space<vmem>>
    %dma_wait3A_250 = arith.constant 128 : i32
    %dma_wait3A_251 = tpu.memref_slice %arg13[%dma_wait3A_250] : memref<512xi32, #tpu.memory_space<vmem>> -> memref<128xi32, #tpu.memory_space<vmem>>
    %dma_wait3A_252 = arith.constant 0 : i32
    %dma_wait3A_253 = arith.constant 0 : i32
    %dma_wait3A_254 = tpu.memref_slice %arg7[%dma_wait3A_252, %dma_wait3A_253] : memref<1000x128xf32, #tpu.memory_space<hbm>> -> memref<1000x128xf32, #tpu.memory_space<hbm>>
    tpu.wait_indirect_dma semaphore(%arg16 : memref<!tpu.dma_semaphore, #tpu.memory_space<semaphore_mem>>) src(%dma_wait3A_254 : memref<1000x128xf32, #tpu.memory_space<hbm>>) dst(%dma_wait3A_249 : memref<128x128xf32, #tpu.memory_space<vmem>>)
    %mul3A_255 = arith.constant 4 : i32
    %mul3A_256 = arith.muli %add3A, %mul3A_255 : i32
    %add3A_257 = arith.constant 1 : i32
    %add3A_258 = arith.addi %mul3A_256, %add3A_257 : i32
    %mul3A_259 = arith.constant 128 : i32
    %mul3A_260 = arith.muli %add3A_258, %mul3A_259 : i32
    %dma_start3A_261 = arith.constant 5 : i32
    %dma_start3A_262 = arith.constant 0 : i32
    %dma_start3A_263 = arith.constant 0 : i32
    %dma_start3A_264 = tpu.memref_slice %arg14[%dma_start3A_261, %dma_start3A_262, %dma_start3A_263] : memref<6x128x128xf32, #tpu.memory_space<vmem>> -> memref<1x128x128xf32, #tpu.memory_space<vmem>>
    %dma_start3A_265 = tpu.memref_squeeze %dma_start3A_264 : memref<1x128x128xf32, #tpu.memory_space<vmem>> -> memref<128x128xf32, #tpu.memory_space<vmem>>
    %dma_start3A_266 = arith.constant 0 : i32
    %dma_start3A_267 = tpu.memref_slice %arg10[%mul3A_260, %dma_start3A_266] : memref<16384x128xf32, #tpu.memory_space<hbm>> -> memref<128x128xf32, #tpu.memory_space<hbm>>
    %dma_start3A_268 = arith.constant 0 : i32
    %dma_start3A_269 = tpu.memref_slice %arg10[%mul3A_260, %dma_start3A_268] : memref<16384x128xf32, #tpu.memory_space<hbm>> -> memref<128x128xf32, #tpu.memory_space<hbm>>
    %dma_start3A_270 = arith.constant 0 : i32
    %dma_start3A_271 = arith.constant 0 : i32
    %dma_start3A_272 = tpu.memref_slice %arg14[%dma_start3A_261, %dma_start3A_270, %dma_start3A_271] : memref<6x128x128xf32, #tpu.memory_space<vmem>> -> memref<1x128x128xf32, #tpu.memory_space<vmem>>
    %dma_start3A_273 = tpu.memref_squeeze %dma_start3A_272 : memref<1x128x128xf32, #tpu.memory_space<vmem>> -> memref<128x128xf32, #tpu.memory_space<vmem>>
    tpu.enqueue_dma source(%dma_start3A_273 : memref<128x128xf32, #tpu.memory_space<vmem>>) target(%dma_start3A_269 : memref<128x128xf32, #tpu.memory_space<hbm>>) target_semaphore(%arg17 : memref<!tpu.dma_semaphore, #tpu.memory_space<semaphore_mem>>)
    %dma_wait3A_274 = arith.constant 1 : i32
    %dma_wait3A_275 = arith.constant 0 : i32
    %dma_wait3A_276 = arith.constant 0 : i32
    %dma_wait3A_277 = tpu.memref_slice %arg14[%dma_wait3A_274, %dma_wait3A_275, %dma_wait3A_276] : memref<6x128x128xf32, #tpu.memory_space<vmem>> -> memref<1x128x128xf32, #tpu.memory_space<vmem>>
    %dma_wait3A_278 = tpu.memref_squeeze %dma_wait3A_277 : memref<1x128x128xf32, #tpu.memory_space<vmem>> -> memref<128x128xf32, #tpu.memory_space<vmem>>
    %dma_wait3A_279 = arith.constant 0 : i32
    %dma_wait3A_280 = tpu.memref_slice %arg9[%mul3A_91, %dma_wait3A_279] : memref<16384x128xf32, #tpu.memory_space<hbm>> -> memref<128x128xf32, #tpu.memory_space<hbm>>
    %dma_wait3A_281 = arith.constant 0 : i32
    %dma_wait3A_282 = tpu.memref_slice %arg9[%mul3A_91, %dma_wait3A_281] : memref<16384x128xf32, #tpu.memory_space<hbm>> -> memref<128x128xf32, #tpu.memory_space<hbm>>
    %dma_wait3A_283 = arith.constant 0 : i32
    %dma_wait3A_284 = arith.constant 0 : i32
    %dma_wait3A_285 = tpu.memref_slice %arg14[%dma_wait3A_274, %dma_wait3A_283, %dma_wait3A_284] : memref<6x128x128xf32, #tpu.memory_space<vmem>> -> memref<1x128x128xf32, #tpu.memory_space<vmem>>
    %dma_wait3A_286 = tpu.memref_squeeze %dma_wait3A_285 : memref<1x128x128xf32, #tpu.memory_space<vmem>> -> memref<128x128xf32, #tpu.memory_space<vmem>>
    tpu.wait_dma2 semaphore(%arg17 : memref<!tpu.dma_semaphore, #tpu.memory_space<semaphore_mem>>) src(%dma_wait3A_286 : memref<128x128xf32, #tpu.memory_space<vmem>>) dst(%dma_wait3A_282 : memref<128x128xf32, #tpu.memory_space<hbm>>)
    %dma_start3A_287 = arith.constant 1 : i32
    %dma_start3A_288 = arith.constant 0 : i32
    %dma_start3A_289 = arith.constant 0 : i32
    %dma_start3A_290 = tpu.memref_slice %arg14[%dma_start3A_287, %dma_start3A_288, %dma_start3A_289] : memref<6x128x128xf32, #tpu.memory_space<vmem>> -> memref<1x128x128xf32, #tpu.memory_space<vmem>>
    %dma_start3A_291 = tpu.memref_squeeze %dma_start3A_290 : memref<1x128x128xf32, #tpu.memory_space<vmem>> -> memref<128x128xf32, #tpu.memory_space<vmem>>
    %dma_start3A_292 = arith.constant 256 : i32
    %dma_start3A_293 = tpu.memref_slice %arg12[%dma_start3A_292] : memref<512xi32, #tpu.memory_space<vmem>> -> memref<128xi32, #tpu.memory_space<vmem>>
    %dma_start3A_294 = arith.constant 0 : i32
    %dma_start3A_295 = arith.constant 0 : i32
    %dma_start3A_296 = tpu.memref_slice %arg6[%dma_start3A_294, %dma_start3A_295] : memref<1000000x128xf32, #tpu.memory_space<hbm>> -> memref<1000000x128xf32, #tpu.memory_space<hbm>>
    tpu.enqueue_indirect_dma source(%dma_start3A_296 : memref<1000000x128xf32, #tpu.memory_space<hbm>>) target(%dma_start3A_291 : memref<128x128xf32, #tpu.memory_space<vmem>>) offsets(%dma_start3A_293 : memref<128xi32, #tpu.memory_space<vmem>>) semaphore(%arg16 : memref<!tpu.dma_semaphore, #tpu.memory_space<semaphore_mem>>)
    %dma_wait3A_297 = arith.constant 0 : i32
    %dma_wait3A_298 = arith.constant 0 : i32
    %dma_wait3A_299 = arith.constant 0 : i32
    %dma_wait3A_300 = tpu.memref_slice %arg14[%dma_wait3A_297, %dma_wait3A_298, %dma_wait3A_299] : memref<6x128x128xf32, #tpu.memory_space<vmem>> -> memref<1x128x128xf32, #tpu.memory_space<vmem>>
    %dma_wait3A_301 = tpu.memref_squeeze %dma_wait3A_300 : memref<1x128x128xf32, #tpu.memory_space<vmem>> -> memref<128x128xf32, #tpu.memory_space<vmem>>
    %dma_wait3A_302 = arith.constant 256 : i32
    %dma_wait3A_303 = tpu.memref_slice %arg11[%dma_wait3A_302] : memref<512xi32, #tpu.memory_space<vmem>> -> memref<128xi32, #tpu.memory_space<vmem>>
    %dma_wait3A_304 = arith.constant 0 : i32
    %dma_wait3A_305 = arith.constant 0 : i32
    %dma_wait3A_306 = tpu.memref_slice %arg5[%dma_wait3A_304, %dma_wait3A_305] : memref<100000x128xf32, #tpu.memory_space<hbm>> -> memref<100000x128xf32, #tpu.memory_space<hbm>>
    tpu.wait_indirect_dma semaphore(%arg16 : memref<!tpu.dma_semaphore, #tpu.memory_space<semaphore_mem>>) src(%dma_wait3A_306 : memref<100000x128xf32, #tpu.memory_space<hbm>>) dst(%dma_wait3A_301 : memref<128x128xf32, #tpu.memory_space<vmem>>)
    %mul3A_307 = arith.constant 4 : i32
    %mul3A_308 = arith.muli %add3A, %mul3A_307 : i32
    %add3A_309 = arith.constant 2 : i32
    %add3A_310 = arith.addi %mul3A_308, %add3A_309 : i32
    %mul3A_311 = arith.constant 128 : i32
    %mul3A_312 = arith.muli %add3A_310, %mul3A_311 : i32
    %dma_start3A_313 = arith.constant 0 : i32
    %dma_start3A_314 = arith.constant 0 : i32
    %dma_start3A_315 = arith.constant 0 : i32
    %dma_start3A_316 = tpu.memref_slice %arg14[%dma_start3A_313, %dma_start3A_314, %dma_start3A_315] : memref<6x128x128xf32, #tpu.memory_space<vmem>> -> memref<1x128x128xf32, #tpu.memory_space<vmem>>
    %dma_start3A_317 = tpu.memref_squeeze %dma_start3A_316 : memref<1x128x128xf32, #tpu.memory_space<vmem>> -> memref<128x128xf32, #tpu.memory_space<vmem>>
    %dma_start3A_318 = arith.constant 0 : i32
    %dma_start3A_319 = tpu.memref_slice %arg8[%mul3A_312, %dma_start3A_318] : memref<16384x128xf32, #tpu.memory_space<hbm>> -> memref<128x128xf32, #tpu.memory_space<hbm>>
    %dma_start3A_320 = arith.constant 0 : i32
    %dma_start3A_321 = tpu.memref_slice %arg8[%mul3A_312, %dma_start3A_320] : memref<16384x128xf32, #tpu.memory_space<hbm>> -> memref<128x128xf32, #tpu.memory_space<hbm>>
    %dma_start3A_322 = arith.constant 0 : i32
    %dma_start3A_323 = arith.constant 0 : i32
    %dma_start3A_324 = tpu.memref_slice %arg14[%dma_start3A_313, %dma_start3A_322, %dma_start3A_323] : memref<6x128x128xf32, #tpu.memory_space<vmem>> -> memref<1x128x128xf32, #tpu.memory_space<vmem>>
    %dma_start3A_325 = tpu.memref_squeeze %dma_start3A_324 : memref<1x128x128xf32, #tpu.memory_space<vmem>> -> memref<128x128xf32, #tpu.memory_space<vmem>>
    tpu.enqueue_dma source(%dma_start3A_325 : memref<128x128xf32, #tpu.memory_space<vmem>>) target(%dma_start3A_321 : memref<128x128xf32, #tpu.memory_space<hbm>>) target_semaphore(%arg17 : memref<!tpu.dma_semaphore, #tpu.memory_space<semaphore_mem>>)
    %dma_wait3A_326 = arith.constant 2 : i32
    %dma_wait3A_327 = arith.constant 0 : i32
    %dma_wait3A_328 = arith.constant 0 : i32
    %dma_wait3A_329 = tpu.memref_slice %arg14[%dma_wait3A_326, %dma_wait3A_327, %dma_wait3A_328] : memref<6x128x128xf32, #tpu.memory_space<vmem>> -> memref<1x128x128xf32, #tpu.memory_space<vmem>>
    %dma_wait3A_330 = tpu.memref_squeeze %dma_wait3A_329 : memref<1x128x128xf32, #tpu.memory_space<vmem>> -> memref<128x128xf32, #tpu.memory_space<vmem>>
    %dma_wait3A_331 = arith.constant 0 : i32
    %dma_wait3A_332 = tpu.memref_slice %arg10[%mul3A_130, %dma_wait3A_331] : memref<16384x128xf32, #tpu.memory_space<hbm>> -> memref<128x128xf32, #tpu.memory_space<hbm>>
    %dma_wait3A_333 = arith.constant 0 : i32
    %dma_wait3A_334 = tpu.memref_slice %arg10[%mul3A_130, %dma_wait3A_333] : memref<16384x128xf32, #tpu.memory_space<hbm>> -> memref<128x128xf32, #tpu.memory_space<hbm>>
    %dma_wait3A_335 = arith.constant 0 : i32
    %dma_wait3A_336 = arith.constant 0 : i32
    %dma_wait3A_337 = tpu.memref_slice %arg14[%dma_wait3A_326, %dma_wait3A_335, %dma_wait3A_336] : memref<6x128x128xf32, #tpu.memory_space<vmem>> -> memref<1x128x128xf32, #tpu.memory_space<vmem>>
    %dma_wait3A_338 = tpu.memref_squeeze %dma_wait3A_337 : memref<1x128x128xf32, #tpu.memory_space<vmem>> -> memref<128x128xf32, #tpu.memory_space<vmem>>
    tpu.wait_dma2 semaphore(%arg17 : memref<!tpu.dma_semaphore, #tpu.memory_space<semaphore_mem>>) src(%dma_wait3A_338 : memref<128x128xf32, #tpu.memory_space<vmem>>) dst(%dma_wait3A_334 : memref<128x128xf32, #tpu.memory_space<hbm>>)
    %dma_start3A_339 = arith.constant 2 : i32
    %dma_start3A_340 = arith.constant 0 : i32
    %dma_start3A_341 = arith.constant 0 : i32
    %dma_start3A_342 = tpu.memref_slice %arg14[%dma_start3A_339, %dma_start3A_340, %dma_start3A_341] : memref<6x128x128xf32, #tpu.memory_space<vmem>> -> memref<1x128x128xf32, #tpu.memory_space<vmem>>
    %dma_start3A_343 = tpu.memref_squeeze %dma_start3A_342 : memref<1x128x128xf32, #tpu.memory_space<vmem>> -> memref<128x128xf32, #tpu.memory_space<vmem>>
    %dma_start3A_344 = arith.constant 256 : i32
    %dma_start3A_345 = tpu.memref_slice %arg13[%dma_start3A_344] : memref<512xi32, #tpu.memory_space<vmem>> -> memref<128xi32, #tpu.memory_space<vmem>>
    %dma_start3A_346 = arith.constant 0 : i32
    %dma_start3A_347 = arith.constant 0 : i32
    %dma_start3A_348 = tpu.memref_slice %arg7[%dma_start3A_346, %dma_start3A_347] : memref<1000x128xf32, #tpu.memory_space<hbm>> -> memref<1000x128xf32, #tpu.memory_space<hbm>>
    tpu.enqueue_indirect_dma source(%dma_start3A_348 : memref<1000x128xf32, #tpu.memory_space<hbm>>) target(%dma_start3A_343 : memref<128x128xf32, #tpu.memory_space<vmem>>) offsets(%dma_start3A_345 : memref<128xi32, #tpu.memory_space<vmem>>) semaphore(%arg16 : memref<!tpu.dma_semaphore, #tpu.memory_space<semaphore_mem>>)
    %dma_wait3A_349 = arith.constant 1 : i32
    %dma_wait3A_350 = arith.constant 0 : i32
    %dma_wait3A_351 = arith.constant 0 : i32
    %dma_wait3A_352 = tpu.memref_slice %arg14[%dma_wait3A_349, %dma_wait3A_350, %dma_wait3A_351] : memref<6x128x128xf32, #tpu.memory_space<vmem>> -> memref<1x128x128xf32, #tpu.memory_space<vmem>>
    %dma_wait3A_353 = tpu.memref_squeeze %dma_wait3A_352 : memref<1x128x128xf32, #tpu.memory_space<vmem>> -> memref<128x128xf32, #tpu.memory_space<vmem>>
    %dma_wait3A_354 = arith.constant 256 : i32
    %dma_wait3A_355 = tpu.memref_slice %arg12[%dma_wait3A_354] : memref<512xi32, #tpu.memory_space<vmem>> -> memref<128xi32, #tpu.memory_space<vmem>>
    %dma_wait3A_356 = arith.constant 0 : i32
    %dma_wait3A_357 = arith.constant 0 : i32
    %dma_wait3A_358 = tpu.memref_slice %arg6[%dma_wait3A_356, %dma_wait3A_357] : memref<1000000x128xf32, #tpu.memory_space<hbm>> -> memref<1000000x128xf32, #tpu.memory_space<hbm>>
    tpu.wait_indirect_dma semaphore(%arg16 : memref<!tpu.dma_semaphore, #tpu.memory_space<semaphore_mem>>) src(%dma_wait3A_358 : memref<1000000x128xf32, #tpu.memory_space<hbm>>) dst(%dma_wait3A_353 : memref<128x128xf32, #tpu.memory_space<vmem>>)
    %mul3A_359 = arith.constant 4 : i32
    %mul3A_360 = arith.muli %add3A, %mul3A_359 : i32
    %add3A_361 = arith.constant 2 : i32
    %add3A_362 = arith.addi %mul3A_360, %add3A_361 : i32
    %mul3A_363 = arith.constant 128 : i32
    %mul3A_364 = arith.muli %add3A_362, %mul3A_363 : i32
    %dma_start3A_365 = arith.constant 1 : i32
    %dma_start3A_366 = arith.constant 0 : i32
    %dma_start3A_367 = arith.constant 0 : i32
    %dma_start3A_368 = tpu.memref_slice %arg14[%dma_start3A_365, %dma_start3A_366, %dma_start3A_367] : memref<6x128x128xf32, #tpu.memory_space<vmem>> -> memref<1x128x128xf32, #tpu.memory_space<vmem>>
    %dma_start3A_369 = tpu.memref_squeeze %dma_start3A_368 : memref<1x128x128xf32, #tpu.memory_space<vmem>> -> memref<128x128xf32, #tpu.memory_space<vmem>>
    %dma_start3A_370 = arith.constant 0 : i32
    %dma_start3A_371 = tpu.memref_slice %arg9[%mul3A_364, %dma_start3A_370] : memref<16384x128xf32, #tpu.memory_space<hbm>> -> memref<128x128xf32, #tpu.memory_space<hbm>>
    %dma_start3A_372 = arith.constant 0 : i32
    %dma_start3A_373 = tpu.memref_slice %arg9[%mul3A_364, %dma_start3A_372] : memref<16384x128xf32, #tpu.memory_space<hbm>> -> memref<128x128xf32, #tpu.memory_space<hbm>>
    %dma_start3A_374 = arith.constant 0 : i32
    %dma_start3A_375 = arith.constant 0 : i32
    %dma_start3A_376 = tpu.memref_slice %arg14[%dma_start3A_365, %dma_start3A_374, %dma_start3A_375] : memref<6x128x128xf32, #tpu.memory_space<vmem>> -> memref<1x128x128xf32, #tpu.memory_space<vmem>>
    %dma_start3A_377 = tpu.memref_squeeze %dma_start3A_376 : memref<1x128x128xf32, #tpu.memory_space<vmem>> -> memref<128x128xf32, #tpu.memory_space<vmem>>
    tpu.enqueue_dma source(%dma_start3A_377 : memref<128x128xf32, #tpu.memory_space<vmem>>) target(%dma_start3A_373 : memref<128x128xf32, #tpu.memory_space<hbm>>) target_semaphore(%arg17 : memref<!tpu.dma_semaphore, #tpu.memory_space<semaphore_mem>>)
    %dma_wait3A_378 = arith.constant 3 : i32
    %dma_wait3A_379 = arith.constant 0 : i32
    %dma_wait3A_380 = arith.constant 0 : i32
    %dma_wait3A_381 = tpu.memref_slice %arg14[%dma_wait3A_378, %dma_wait3A_379, %dma_wait3A_380] : memref<6x128x128xf32, #tpu.memory_space<vmem>> -> memref<1x128x128xf32, #tpu.memory_space<vmem>>
    %dma_wait3A_382 = tpu.memref_squeeze %dma_wait3A_381 : memref<1x128x128xf32, #tpu.memory_space<vmem>> -> memref<128x128xf32, #tpu.memory_space<vmem>>
    %dma_wait3A_383 = arith.constant 0 : i32
    %dma_wait3A_384 = tpu.memref_slice %arg8[%mul3A_169, %dma_wait3A_383] : memref<16384x128xf32, #tpu.memory_space<hbm>> -> memref<128x128xf32, #tpu.memory_space<hbm>>
    %dma_wait3A_385 = arith.constant 0 : i32
    %dma_wait3A_386 = tpu.memref_slice %arg8[%mul3A_169, %dma_wait3A_385] : memref<16384x128xf32, #tpu.memory_space<hbm>> -> memref<128x128xf32, #tpu.memory_space<hbm>>
    %dma_wait3A_387 = arith.constant 0 : i32
    %dma_wait3A_388 = arith.constant 0 : i32
    %dma_wait3A_389 = tpu.memref_slice %arg14[%dma_wait3A_378, %dma_wait3A_387, %dma_wait3A_388] : memref<6x128x128xf32, #tpu.memory_space<vmem>> -> memref<1x128x128xf32, #tpu.memory_space<vmem>>
    %dma_wait3A_390 = tpu.memref_squeeze %dma_wait3A_389 : memref<1x128x128xf32, #tpu.memory_space<vmem>> -> memref<128x128xf32, #tpu.memory_space<vmem>>
    tpu.wait_dma2 semaphore(%arg17 : memref<!tpu.dma_semaphore, #tpu.memory_space<semaphore_mem>>) src(%dma_wait3A_390 : memref<128x128xf32, #tpu.memory_space<vmem>>) dst(%dma_wait3A_386 : memref<128x128xf32, #tpu.memory_space<hbm>>)
    %dma_start3A_391 = arith.constant 3 : i32
    %dma_start3A_392 = arith.constant 0 : i32
    %dma_start3A_393 = arith.constant 0 : i32
    %dma_start3A_394 = tpu.memref_slice %arg14[%dma_start3A_391, %dma_start3A_392, %dma_start3A_393] : memref<6x128x128xf32, #tpu.memory_space<vmem>> -> memref<1x128x128xf32, #tpu.memory_space<vmem>>
    %dma_start3A_395 = tpu.memref_squeeze %dma_start3A_394 : memref<1x128x128xf32, #tpu.memory_space<vmem>> -> memref<128x128xf32, #tpu.memory_space<vmem>>
    %dma_start3A_396 = arith.constant 384 : i32
    %dma_start3A_397 = tpu.memref_slice %arg11[%dma_start3A_396] : memref<512xi32, #tpu.memory_space<vmem>> -> memref<128xi32, #tpu.memory_space<vmem>>
    %dma_start3A_398 = arith.constant 0 : i32
    %dma_start3A_399 = arith.constant 0 : i32
    %dma_start3A_400 = tpu.memref_slice %arg5[%dma_start3A_398, %dma_start3A_399] : memref<100000x128xf32, #tpu.memory_space<hbm>> -> memref<100000x128xf32, #tpu.memory_space<hbm>>
    tpu.enqueue_indirect_dma source(%dma_start3A_400 : memref<100000x128xf32, #tpu.memory_space<hbm>>) target(%dma_start3A_395 : memref<128x128xf32, #tpu.memory_space<vmem>>) offsets(%dma_start3A_397 : memref<128xi32, #tpu.memory_space<vmem>>) semaphore(%arg16 : memref<!tpu.dma_semaphore, #tpu.memory_space<semaphore_mem>>)
    %dma_wait3A_401 = arith.constant 2 : i32
    %dma_wait3A_402 = arith.constant 0 : i32
    %dma_wait3A_403 = arith.constant 0 : i32
    %dma_wait3A_404 = tpu.memref_slice %arg14[%dma_wait3A_401, %dma_wait3A_402, %dma_wait3A_403] : memref<6x128x128xf32, #tpu.memory_space<vmem>> -> memref<1x128x128xf32, #tpu.memory_space<vmem>>
    %dma_wait3A_405 = tpu.memref_squeeze %dma_wait3A_404 : memref<1x128x128xf32, #tpu.memory_space<vmem>> -> memref<128x128xf32, #tpu.memory_space<vmem>>
    %dma_wait3A_406 = arith.constant 256 : i32
    %dma_wait3A_407 = tpu.memref_slice %arg13[%dma_wait3A_406] : memref<512xi32, #tpu.memory_space<vmem>> -> memref<128xi32, #tpu.memory_space<vmem>>
    %dma_wait3A_408 = arith.constant 0 : i32
    %dma_wait3A_409 = arith.constant 0 : i32
    %dma_wait3A_410 = tpu.memref_slice %arg7[%dma_wait3A_408, %dma_wait3A_409] : memref<1000x128xf32, #tpu.memory_space<hbm>> -> memref<1000x128xf32, #tpu.memory_space<hbm>>
    tpu.wait_indirect_dma semaphore(%arg16 : memref<!tpu.dma_semaphore, #tpu.memory_space<semaphore_mem>>) src(%dma_wait3A_410 : memref<1000x128xf32, #tpu.memory_space<hbm>>) dst(%dma_wait3A_405 : memref<128x128xf32, #tpu.memory_space<vmem>>)
    %mul3A_411 = arith.constant 4 : i32
    %mul3A_412 = arith.muli %add3A, %mul3A_411 : i32
    %add3A_413 = arith.constant 2 : i32
    %add3A_414 = arith.addi %mul3A_412, %add3A_413 : i32
    %mul3A_415 = arith.constant 128 : i32
    %mul3A_416 = arith.muli %add3A_414, %mul3A_415 : i32
    %dma_start3A_417 = arith.constant 2 : i32
    %dma_start3A_418 = arith.constant 0 : i32
    %dma_start3A_419 = arith.constant 0 : i32
    %dma_start3A_420 = tpu.memref_slice %arg14[%dma_start3A_417, %dma_start3A_418, %dma_start3A_419] : memref<6x128x128xf32, #tpu.memory_space<vmem>> -> memref<1x128x128xf32, #tpu.memory_space<vmem>>
    %dma_start3A_421 = tpu.memref_squeeze %dma_start3A_420 : memref<1x128x128xf32, #tpu.memory_space<vmem>> -> memref<128x128xf32, #tpu.memory_space<vmem>>
    %dma_start3A_422 = arith.constant 0 : i32
    %dma_start3A_423 = tpu.memref_slice %arg10[%mul3A_416, %dma_start3A_422] : memref<16384x128xf32, #tpu.memory_space<hbm>> -> memref<128x128xf32, #tpu.memory_space<hbm>>
    %dma_start3A_424 = arith.constant 0 : i32
    %dma_start3A_425 = tpu.memref_slice %arg10[%mul3A_416, %dma_start3A_424] : memref<16384x128xf32, #tpu.memory_space<hbm>> -> memref<128x128xf32, #tpu.memory_space<hbm>>
    %dma_start3A_426 = arith.constant 0 : i32
    %dma_start3A_427 = arith.constant 0 : i32
    %dma_start3A_428 = tpu.memref_slice %arg14[%dma_start3A_417, %dma_start3A_426, %dma_start3A_427] : memref<6x128x128xf32, #tpu.memory_space<vmem>> -> memref<1x128x128xf32, #tpu.memory_space<vmem>>
    %dma_start3A_429 = tpu.memref_squeeze %dma_start3A_428 : memref<1x128x128xf32, #tpu.memory_space<vmem>> -> memref<128x128xf32, #tpu.memory_space<vmem>>
    tpu.enqueue_dma source(%dma_start3A_429 : memref<128x128xf32, #tpu.memory_space<vmem>>) target(%dma_start3A_425 : memref<128x128xf32, #tpu.memory_space<hbm>>) target_semaphore(%arg17 : memref<!tpu.dma_semaphore, #tpu.memory_space<semaphore_mem>>)
    %dma_wait3A_430 = arith.constant 4 : i32
    %dma_wait3A_431 = arith.constant 0 : i32
    %dma_wait3A_432 = arith.constant 0 : i32
    %dma_wait3A_433 = tpu.memref_slice %arg14[%dma_wait3A_430, %dma_wait3A_431, %dma_wait3A_432] : memref<6x128x128xf32, #tpu.memory_space<vmem>> -> memref<1x128x128xf32, #tpu.memory_space<vmem>>
    %dma_wait3A_434 = tpu.memref_squeeze %dma_wait3A_433 : memref<1x128x128xf32, #tpu.memory_space<vmem>> -> memref<128x128xf32, #tpu.memory_space<vmem>>
    %dma_wait3A_435 = arith.constant 0 : i32
    %dma_wait3A_436 = tpu.memref_slice %arg9[%mul3A_208, %dma_wait3A_435] : memref<16384x128xf32, #tpu.memory_space<hbm>> -> memref<128x128xf32, #tpu.memory_space<hbm>>
    %dma_wait3A_437 = arith.constant 0 : i32
    %dma_wait3A_438 = tpu.memref_slice %arg9[%mul3A_208, %dma_wait3A_437] : memref<16384x128xf32, #tpu.memory_space<hbm>> -> memref<128x128xf32, #tpu.memory_space<hbm>>
    %dma_wait3A_439 = arith.constant 0 : i32
    %dma_wait3A_440 = arith.constant 0 : i32
    %dma_wait3A_441 = tpu.memref_slice %arg14[%dma_wait3A_430, %dma_wait3A_439, %dma_wait3A_440] : memref<6x128x128xf32, #tpu.memory_space<vmem>> -> memref<1x128x128xf32, #tpu.memory_space<vmem>>
    %dma_wait3A_442 = tpu.memref_squeeze %dma_wait3A_441 : memref<1x128x128xf32, #tpu.memory_space<vmem>> -> memref<128x128xf32, #tpu.memory_space<vmem>>
    tpu.wait_dma2 semaphore(%arg17 : memref<!tpu.dma_semaphore, #tpu.memory_space<semaphore_mem>>) src(%dma_wait3A_442 : memref<128x128xf32, #tpu.memory_space<vmem>>) dst(%dma_wait3A_438 : memref<128x128xf32, #tpu.memory_space<hbm>>)
    %dma_start3A_443 = arith.constant 4 : i32
    %dma_start3A_444 = arith.constant 0 : i32
    %dma_start3A_445 = arith.constant 0 : i32
    %dma_start3A_446 = tpu.memref_slice %arg14[%dma_start3A_443, %dma_start3A_444, %dma_start3A_445] : memref<6x128x128xf32, #tpu.memory_space<vmem>> -> memref<1x128x128xf32, #tpu.memory_space<vmem>>
    %dma_start3A_447 = tpu.memref_squeeze %dma_start3A_446 : memref<1x128x128xf32, #tpu.memory_space<vmem>> -> memref<128x128xf32, #tpu.memory_space<vmem>>
    %dma_start3A_448 = arith.constant 384 : i32
    %dma_start3A_449 = tpu.memref_slice %arg12[%dma_start3A_448] : memref<512xi32, #tpu.memory_space<vmem>> -> memref<128xi32, #tpu.memory_space<vmem>>
    %dma_start3A_450 = arith.constant 0 : i32
    %dma_start3A_451 = arith.constant 0 : i32
    %dma_start3A_452 = tpu.memref_slice %arg6[%dma_start3A_450, %dma_start3A_451] : memref<1000000x128xf32, #tpu.memory_space<hbm>> -> memref<1000000x128xf32, #tpu.memory_space<hbm>>
    tpu.enqueue_indirect_dma source(%dma_start3A_452 : memref<1000000x128xf32, #tpu.memory_space<hbm>>) target(%dma_start3A_447 : memref<128x128xf32, #tpu.memory_space<vmem>>) offsets(%dma_start3A_449 : memref<128xi32, #tpu.memory_space<vmem>>) semaphore(%arg16 : memref<!tpu.dma_semaphore, #tpu.memory_space<semaphore_mem>>)
    %dma_wait3A_453 = arith.constant 3 : i32
    %dma_wait3A_454 = arith.constant 0 : i32
    %dma_wait3A_455 = arith.constant 0 : i32
    %dma_wait3A_456 = tpu.memref_slice %arg14[%dma_wait3A_453, %dma_wait3A_454, %dma_wait3A_455] : memref<6x128x128xf32, #tpu.memory_space<vmem>> -> memref<1x128x128xf32, #tpu.memory_space<vmem>>
    %dma_wait3A_457 = tpu.memref_squeeze %dma_wait3A_456 : memref<1x128x128xf32, #tpu.memory_space<vmem>> -> memref<128x128xf32, #tpu.memory_space<vmem>>
    %dma_wait3A_458 = arith.constant 384 : i32
    %dma_wait3A_459 = tpu.memref_slice %arg11[%dma_wait3A_458] : memref<512xi32, #tpu.memory_space<vmem>> -> memref<128xi32, #tpu.memory_space<vmem>>
    %dma_wait3A_460 = arith.constant 0 : i32
    %dma_wait3A_461 = arith.constant 0 : i32
    %dma_wait3A_462 = tpu.memref_slice %arg5[%dma_wait3A_460, %dma_wait3A_461] : memref<100000x128xf32, #tpu.memory_space<hbm>> -> memref<100000x128xf32, #tpu.memory_space<hbm>>
    tpu.wait_indirect_dma semaphore(%arg16 : memref<!tpu.dma_semaphore, #tpu.memory_space<semaphore_mem>>) src(%dma_wait3A_462 : memref<100000x128xf32, #tpu.memory_space<hbm>>) dst(%dma_wait3A_457 : memref<128x128xf32, #tpu.memory_space<vmem>>)
    %mul3A_463 = arith.constant 4 : i32
    %mul3A_464 = arith.muli %add3A, %mul3A_463 : i32
    %add3A_465 = arith.constant 3 : i32
    %add3A_466 = arith.addi %mul3A_464, %add3A_465 : i32
    %mul3A_467 = arith.constant 128 : i32
    %mul3A_468 = arith.muli %add3A_466, %mul3A_467 : i32
    %dma_start3A_469 = arith.constant 3 : i32
    %dma_start3A_470 = arith.constant 0 : i32
    %dma_start3A_471 = arith.constant 0 : i32
    %dma_start3A_472 = tpu.memref_slice %arg14[%dma_start3A_469, %dma_start3A_470, %dma_start3A_471] : memref<6x128x128xf32, #tpu.memory_space<vmem>> -> memref<1x128x128xf32, #tpu.memory_space<vmem>>
    %dma_start3A_473 = tpu.memref_squeeze %dma_start3A_472 : memref<1x128x128xf32, #tpu.memory_space<vmem>> -> memref<128x128xf32, #tpu.memory_space<vmem>>
    %dma_start3A_474 = arith.constant 0 : i32
    %dma_start3A_475 = tpu.memref_slice %arg8[%mul3A_468, %dma_start3A_474] : memref<16384x128xf32, #tpu.memory_space<hbm>> -> memref<128x128xf32, #tpu.memory_space<hbm>>
    %dma_start3A_476 = arith.constant 0 : i32
    %dma_start3A_477 = tpu.memref_slice %arg8[%mul3A_468, %dma_start3A_476] : memref<16384x128xf32, #tpu.memory_space<hbm>> -> memref<128x128xf32, #tpu.memory_space<hbm>>
    %dma_start3A_478 = arith.constant 0 : i32
    %dma_start3A_479 = arith.constant 0 : i32
    %dma_start3A_480 = tpu.memref_slice %arg14[%dma_start3A_469, %dma_start3A_478, %dma_start3A_479] : memref<6x128x128xf32, #tpu.memory_space<vmem>> -> memref<1x128x128xf32, #tpu.memory_space<vmem>>
    %dma_start3A_481 = tpu.memref_squeeze %dma_start3A_480 : memref<1x128x128xf32, #tpu.memory_space<vmem>> -> memref<128x128xf32, #tpu.memory_space<vmem>>
    tpu.enqueue_dma source(%dma_start3A_481 : memref<128x128xf32, #tpu.memory_space<vmem>>) target(%dma_start3A_477 : memref<128x128xf32, #tpu.memory_space<hbm>>) target_semaphore(%arg17 : memref<!tpu.dma_semaphore, #tpu.memory_space<semaphore_mem>>)
    %dma_wait3A_482 = arith.constant 5 : i32
    %dma_wait3A_483 = arith.constant 0 : i32
    %dma_wait3A_484 = arith.constant 0 : i32
    %dma_wait3A_485 = tpu.memref_slice %arg14[%dma_wait3A_482, %dma_wait3A_483, %dma_wait3A_484] : memref<6x128x128xf32, #tpu.memory_space<vmem>> -> memref<1x128x128xf32, #tpu.memory_space<vmem>>
    %dma_wait3A_486 = tpu.memref_squeeze %dma_wait3A_485 : memref<1x128x128xf32, #tpu.memory_space<vmem>> -> memref<128x128xf32, #tpu.memory_space<vmem>>
    %dma_wait3A_487 = arith.constant 0 : i32
    %dma_wait3A_488 = tpu.memref_slice %arg10[%mul3A_260, %dma_wait3A_487] : memref<16384x128xf32, #tpu.memory_space<hbm>> -> memref<128x128xf32, #tpu.memory_space<hbm>>
    %dma_wait3A_489 = arith.constant 0 : i32
    %dma_wait3A_490 = tpu.memref_slice %arg10[%mul3A_260, %dma_wait3A_489] : memref<16384x128xf32, #tpu.memory_space<hbm>> -> memref<128x128xf32, #tpu.memory_space<hbm>>
    %dma_wait3A_491 = arith.constant 0 : i32
    %dma_wait3A_492 = arith.constant 0 : i32
    %dma_wait3A_493 = tpu.memref_slice %arg14[%dma_wait3A_482, %dma_wait3A_491, %dma_wait3A_492] : memref<6x128x128xf32, #tpu.memory_space<vmem>> -> memref<1x128x128xf32, #tpu.memory_space<vmem>>
    %dma_wait3A_494 = tpu.memref_squeeze %dma_wait3A_493 : memref<1x128x128xf32, #tpu.memory_space<vmem>> -> memref<128x128xf32, #tpu.memory_space<vmem>>
    tpu.wait_dma2 semaphore(%arg17 : memref<!tpu.dma_semaphore, #tpu.memory_space<semaphore_mem>>) src(%dma_wait3A_494 : memref<128x128xf32, #tpu.memory_space<vmem>>) dst(%dma_wait3A_490 : memref<128x128xf32, #tpu.memory_space<hbm>>)
    %dma_start3A_495 = arith.constant 5 : i32
    %dma_start3A_496 = arith.constant 0 : i32
    %dma_start3A_497 = arith.constant 0 : i32
    %dma_start3A_498 = tpu.memref_slice %arg14[%dma_start3A_495, %dma_start3A_496, %dma_start3A_497] : memref<6x128x128xf32, #tpu.memory_space<vmem>> -> memref<1x128x128xf32, #tpu.memory_space<vmem>>
    %dma_start3A_499 = tpu.memref_squeeze %dma_start3A_498 : memref<1x128x128xf32, #tpu.memory_space<vmem>> -> memref<128x128xf32, #tpu.memory_space<vmem>>
    %dma_start3A_500 = arith.constant 384 : i32
    %dma_start3A_501 = tpu.memref_slice %arg13[%dma_start3A_500] : memref<512xi32, #tpu.memory_space<vmem>> -> memref<128xi32, #tpu.memory_space<vmem>>
    %dma_start3A_502 = arith.constant 0 : i32
    %dma_start3A_503 = arith.constant 0 : i32
    %dma_start3A_504 = tpu.memref_slice %arg7[%dma_start3A_502, %dma_start3A_503] : memref<1000x128xf32, #tpu.memory_space<hbm>> -> memref<1000x128xf32, #tpu.memory_space<hbm>>
    tpu.enqueue_indirect_dma source(%dma_start3A_504 : memref<1000x128xf32, #tpu.memory_space<hbm>>) target(%dma_start3A_499 : memref<128x128xf32, #tpu.memory_space<vmem>>) offsets(%dma_start3A_501 : memref<128xi32, #tpu.memory_space<vmem>>) semaphore(%arg16 : memref<!tpu.dma_semaphore, #tpu.memory_space<semaphore_mem>>)
    %dma_wait3A_505 = arith.constant 4 : i32
    %dma_wait3A_506 = arith.constant 0 : i32
    %dma_wait3A_507 = arith.constant 0 : i32
    %dma_wait3A_508 = tpu.memref_slice %arg14[%dma_wait3A_505, %dma_wait3A_506, %dma_wait3A_507] : memref<6x128x128xf32, #tpu.memory_space<vmem>> -> memref<1x128x128xf32, #tpu.memory_space<vmem>>
    %dma_wait3A_509 = tpu.memref_squeeze %dma_wait3A_508 : memref<1x128x128xf32, #tpu.memory_space<vmem>> -> memref<128x128xf32, #tpu.memory_space<vmem>>
    %dma_wait3A_510 = arith.constant 384 : i32
    %dma_wait3A_511 = tpu.memref_slice %arg12[%dma_wait3A_510] : memref<512xi32, #tpu.memory_space<vmem>> -> memref<128xi32, #tpu.memory_space<vmem>>
    %dma_wait3A_512 = arith.constant 0 : i32
    %dma_wait3A_513 = arith.constant 0 : i32
    %dma_wait3A_514 = tpu.memref_slice %arg6[%dma_wait3A_512, %dma_wait3A_513] : memref<1000000x128xf32, #tpu.memory_space<hbm>> -> memref<1000000x128xf32, #tpu.memory_space<hbm>>
    tpu.wait_indirect_dma semaphore(%arg16 : memref<!tpu.dma_semaphore, #tpu.memory_space<semaphore_mem>>) src(%dma_wait3A_514 : memref<1000000x128xf32, #tpu.memory_space<hbm>>) dst(%dma_wait3A_509 : memref<128x128xf32, #tpu.memory_space<vmem>>)
    %mul3A_515 = arith.constant 4 : i32
    %mul3A_516 = arith.muli %add3A, %mul3A_515 : i32
    %add3A_517 = arith.constant 3 : i32
    %add3A_518 = arith.addi %mul3A_516, %add3A_517 : i32
    %mul3A_519 = arith.constant 128 : i32
    %mul3A_520 = arith.muli %add3A_518, %mul3A_519 : i32
    %dma_start3A_521 = arith.constant 4 : i32
    %dma_start3A_522 = arith.constant 0 : i32
    %dma_start3A_523 = arith.constant 0 : i32
    %dma_start3A_524 = tpu.memref_slice %arg14[%dma_start3A_521, %dma_start3A_522, %dma_start3A_523] : memref<6x128x128xf32, #tpu.memory_space<vmem>> -> memref<1x128x128xf32, #tpu.memory_space<vmem>>
    %dma_start3A_525 = tpu.memref_squeeze %dma_start3A_524 : memref<1x128x128xf32, #tpu.memory_space<vmem>> -> memref<128x128xf32, #tpu.memory_space<vmem>>
    %dma_start3A_526 = arith.constant 0 : i32
    %dma_start3A_527 = tpu.memref_slice %arg9[%mul3A_520, %dma_start3A_526] : memref<16384x128xf32, #tpu.memory_space<hbm>> -> memref<128x128xf32, #tpu.memory_space<hbm>>
    %dma_start3A_528 = arith.constant 0 : i32
    %dma_start3A_529 = tpu.memref_slice %arg9[%mul3A_520, %dma_start3A_528] : memref<16384x128xf32, #tpu.memory_space<hbm>> -> memref<128x128xf32, #tpu.memory_space<hbm>>
    %dma_start3A_530 = arith.constant 0 : i32
    %dma_start3A_531 = arith.constant 0 : i32
    %dma_start3A_532 = tpu.memref_slice %arg14[%dma_start3A_521, %dma_start3A_530, %dma_start3A_531] : memref<6x128x128xf32, #tpu.memory_space<vmem>> -> memref<1x128x128xf32, #tpu.memory_space<vmem>>
    %dma_start3A_533 = tpu.memref_squeeze %dma_start3A_532 : memref<1x128x128xf32, #tpu.memory_space<vmem>> -> memref<128x128xf32, #tpu.memory_space<vmem>>
    tpu.enqueue_dma source(%dma_start3A_533 : memref<128x128xf32, #tpu.memory_space<vmem>>) target(%dma_start3A_529 : memref<128x128xf32, #tpu.memory_space<hbm>>) target_semaphore(%arg17 : memref<!tpu.dma_semaphore, #tpu.memory_space<semaphore_mem>>)
    %dma_wait3A_534 = arith.constant 5 : i32
    %dma_wait3A_535 = arith.constant 0 : i32
    %dma_wait3A_536 = arith.constant 0 : i32
    %dma_wait3A_537 = tpu.memref_slice %arg14[%dma_wait3A_534, %dma_wait3A_535, %dma_wait3A_536] : memref<6x128x128xf32, #tpu.memory_space<vmem>> -> memref<1x128x128xf32, #tpu.memory_space<vmem>>
    %dma_wait3A_538 = tpu.memref_squeeze %dma_wait3A_537 : memref<1x128x128xf32, #tpu.memory_space<vmem>> -> memref<128x128xf32, #tpu.memory_space<vmem>>
    %dma_wait3A_539 = arith.constant 384 : i32
    %dma_wait3A_540 = tpu.memref_slice %arg13[%dma_wait3A_539] : memref<512xi32, #tpu.memory_space<vmem>> -> memref<128xi32, #tpu.memory_space<vmem>>
    %dma_wait3A_541 = arith.constant 0 : i32
    %dma_wait3A_542 = arith.constant 0 : i32
    %dma_wait3A_543 = tpu.memref_slice %arg7[%dma_wait3A_541, %dma_wait3A_542] : memref<1000x128xf32, #tpu.memory_space<hbm>> -> memref<1000x128xf32, #tpu.memory_space<hbm>>
    tpu.wait_indirect_dma semaphore(%arg16 : memref<!tpu.dma_semaphore, #tpu.memory_space<semaphore_mem>>) src(%dma_wait3A_543 : memref<1000x128xf32, #tpu.memory_space<hbm>>) dst(%dma_wait3A_538 : memref<128x128xf32, #tpu.memory_space<vmem>>)
    %mul3A_544 = arith.constant 4 : i32
    %mul3A_545 = arith.muli %add3A, %mul3A_544 : i32
    %add3A_546 = arith.constant 3 : i32
    %add3A_547 = arith.addi %mul3A_545, %add3A_546 : i32
    %mul3A_548 = arith.constant 128 : i32
    %mul3A_549 = arith.muli %add3A_547, %mul3A_548 : i32
    %dma_start3A_550 = arith.constant 5 : i32
    %dma_start3A_551 = arith.constant 0 : i32
    %dma_start3A_552 = arith.constant 0 : i32
    %dma_start3A_553 = tpu.memref_slice %arg14[%dma_start3A_550, %dma_start3A_551, %dma_start3A_552] : memref<6x128x128xf32, #tpu.memory_space<vmem>> -> memref<1x128x128xf32, #tpu.memory_space<vmem>>
    %dma_start3A_554 = tpu.memref_squeeze %dma_start3A_553 : memref<1x128x128xf32, #tpu.memory_space<vmem>> -> memref<128x128xf32, #tpu.memory_space<vmem>>
    %dma_start3A_555 = arith.constant 0 : i32
    %dma_start3A_556 = tpu.memref_slice %arg10[%mul3A_549, %dma_start3A_555] : memref<16384x128xf32, #tpu.memory_space<hbm>> -> memref<128x128xf32, #tpu.memory_space<hbm>>
    %dma_start3A_557 = arith.constant 0 : i32
    %dma_start3A_558 = tpu.memref_slice %arg10[%mul3A_549, %dma_start3A_557] : memref<16384x128xf32, #tpu.memory_space<hbm>> -> memref<128x128xf32, #tpu.memory_space<hbm>>
    %dma_start3A_559 = arith.constant 0 : i32
    %dma_start3A_560 = arith.constant 0 : i32
    %dma_start3A_561 = tpu.memref_slice %arg14[%dma_start3A_550, %dma_start3A_559, %dma_start3A_560] : memref<6x128x128xf32, #tpu.memory_space<vmem>> -> memref<1x128x128xf32, #tpu.memory_space<vmem>>
    %dma_start3A_562 = tpu.memref_squeeze %dma_start3A_561 : memref<1x128x128xf32, #tpu.memory_space<vmem>> -> memref<128x128xf32, #tpu.memory_space<vmem>>
    tpu.enqueue_dma source(%dma_start3A_562 : memref<128x128xf32, #tpu.memory_space<vmem>>) target(%dma_start3A_558 : memref<128x128xf32, #tpu.memory_space<hbm>>) target_semaphore(%arg17 : memref<!tpu.dma_semaphore, #tpu.memory_space<semaphore_mem>>)
    %dma_wait3A_563 = arith.constant 0 : i32
    %dma_wait3A_564 = arith.constant 0 : i32
    %dma_wait3A_565 = arith.constant 0 : i32
    %dma_wait3A_566 = tpu.memref_slice %arg14[%dma_wait3A_563, %dma_wait3A_564, %dma_wait3A_565] : memref<6x128x128xf32, #tpu.memory_space<vmem>> -> memref<1x128x128xf32, #tpu.memory_space<vmem>>
    %dma_wait3A_567 = tpu.memref_squeeze %dma_wait3A_566 : memref<1x128x128xf32, #tpu.memory_space<vmem>> -> memref<128x128xf32, #tpu.memory_space<vmem>>
    %dma_wait3A_568 = arith.constant 0 : i32
    %dma_wait3A_569 = tpu.memref_slice %arg8[%mul3A_312, %dma_wait3A_568] : memref<16384x128xf32, #tpu.memory_space<hbm>> -> memref<128x128xf32, #tpu.memory_space<hbm>>
    %dma_wait3A_570 = arith.constant 0 : i32
    %dma_wait3A_571 = tpu.memref_slice %arg8[%mul3A_312, %dma_wait3A_570] : memref<16384x128xf32, #tpu.memory_space<hbm>> -> memref<128x128xf32, #tpu.memory_space<hbm>>
    %dma_wait3A_572 = arith.constant 0 : i32
    %dma_wait3A_573 = arith.constant 0 : i32
    %dma_wait3A_574 = tpu.memref_slice %arg14[%dma_wait3A_563, %dma_wait3A_572, %dma_wait3A_573] : memref<6x128x128xf32, #tpu.memory_space<vmem>> -> memref<1x128x128xf32, #tpu.memory_space<vmem>>
    %dma_wait3A_575 = tpu.memref_squeeze %dma_wait3A_574 : memref<1x128x128xf32, #tpu.memory_space<vmem>> -> memref<128x128xf32, #tpu.memory_space<vmem>>
    tpu.wait_dma2 semaphore(%arg17 : memref<!tpu.dma_semaphore, #tpu.memory_space<semaphore_mem>>) src(%dma_wait3A_575 : memref<128x128xf32, #tpu.memory_space<vmem>>) dst(%dma_wait3A_571 : memref<128x128xf32, #tpu.memory_space<hbm>>)
    %dma_wait3A_576 = arith.constant 1 : i32
    %dma_wait3A_577 = arith.constant 0 : i32
    %dma_wait3A_578 = arith.constant 0 : i32
    %dma_wait3A_579 = tpu.memref_slice %arg14[%dma_wait3A_576, %dma_wait3A_577, %dma_wait3A_578] : memref<6x128x128xf32, #tpu.memory_space<vmem>> -> memref<1x128x128xf32, #tpu.memory_space<vmem>>
    %dma_wait3A_580 = tpu.memref_squeeze %dma_wait3A_579 : memref<1x128x128xf32, #tpu.memory_space<vmem>> -> memref<128x128xf32, #tpu.memory_space<vmem>>
    %dma_wait3A_581 = arith.constant 0 : i32
    %dma_wait3A_582 = tpu.memref_slice %arg9[%mul3A_364, %dma_wait3A_581] : memref<16384x128xf32, #tpu.memory_space<hbm>> -> memref<128x128xf32, #tpu.memory_space<hbm>>
    %dma_wait3A_583 = arith.constant 0 : i32
    %dma_wait3A_584 = tpu.memref_slice %arg9[%mul3A_364, %dma_wait3A_583] : memref<16384x128xf32, #tpu.memory_space<hbm>> -> memref<128x128xf32, #tpu.memory_space<hbm>>
    %dma_wait3A_585 = arith.constant 0 : i32
    %dma_wait3A_586 = arith.constant 0 : i32
    %dma_wait3A_587 = tpu.memref_slice %arg14[%dma_wait3A_576, %dma_wait3A_585, %dma_wait3A_586] : memref<6x128x128xf32, #tpu.memory_space<vmem>> -> memref<1x128x128xf32, #tpu.memory_space<vmem>>
    %dma_wait3A_588 = tpu.memref_squeeze %dma_wait3A_587 : memref<1x128x128xf32, #tpu.memory_space<vmem>> -> memref<128x128xf32, #tpu.memory_space<vmem>>
    tpu.wait_dma2 semaphore(%arg17 : memref<!tpu.dma_semaphore, #tpu.memory_space<semaphore_mem>>) src(%dma_wait3A_588 : memref<128x128xf32, #tpu.memory_space<vmem>>) dst(%dma_wait3A_584 : memref<128x128xf32, #tpu.memory_space<hbm>>)
    %dma_wait3A_589 = arith.constant 2 : i32
    %dma_wait3A_590 = arith.constant 0 : i32
    %dma_wait3A_591 = arith.constant 0 : i32
    %dma_wait3A_592 = tpu.memref_slice %arg14[%dma_wait3A_589, %dma_wait3A_590, %dma_wait3A_591] : memref<6x128x128xf32, #tpu.memory_space<vmem>> -> memref<1x128x128xf32, #tpu.memory_space<vmem>>
    %dma_wait3A_593 = tpu.memref_squeeze %dma_wait3A_592 : memref<1x128x128xf32, #tpu.memory_space<vmem>> -> memref<128x128xf32, #tpu.memory_space<vmem>>
    %dma_wait3A_594 = arith.constant 0 : i32
    %dma_wait3A_595 = tpu.memref_slice %arg10[%mul3A_416, %dma_wait3A_594] : memref<16384x128xf32, #tpu.memory_space<hbm>> -> memref<128x128xf32, #tpu.memory_space<hbm>>
    %dma_wait3A_596 = arith.constant 0 : i32
    %dma_wait3A_597 = tpu.memref_slice %arg10[%mul3A_416, %dma_wait3A_596] : memref<16384x128xf32, #tpu.memory_space<hbm>> -> memref<128x128xf32, #tpu.memory_space<hbm>>
    %dma_wait3A_598 = arith.constant 0 : i32
    %dma_wait3A_599 = arith.constant 0 : i32
    %dma_wait3A_600 = tpu.memref_slice %arg14[%dma_wait3A_589, %dma_wait3A_598, %dma_wait3A_599] : memref<6x128x128xf32, #tpu.memory_space<vmem>> -> memref<1x128x128xf32, #tpu.memory_space<vmem>>
    %dma_wait3A_601 = tpu.memref_squeeze %dma_wait3A_600 : memref<1x128x128xf32, #tpu.memory_space<vmem>> -> memref<128x128xf32, #tpu.memory_space<vmem>>
    tpu.wait_dma2 semaphore(%arg17 : memref<!tpu.dma_semaphore, #tpu.memory_space<semaphore_mem>>) src(%dma_wait3A_601 : memref<128x128xf32, #tpu.memory_space<vmem>>) dst(%dma_wait3A_597 : memref<128x128xf32, #tpu.memory_space<hbm>>)
    %dma_wait3A_602 = arith.constant 3 : i32
    %dma_wait3A_603 = arith.constant 0 : i32
    %dma_wait3A_604 = arith.constant 0 : i32
    %dma_wait3A_605 = tpu.memref_slice %arg14[%dma_wait3A_602, %dma_wait3A_603, %dma_wait3A_604] : memref<6x128x128xf32, #tpu.memory_space<vmem>> -> memref<1x128x128xf32, #tpu.memory_space<vmem>>
    %dma_wait3A_606 = tpu.memref_squeeze %dma_wait3A_605 : memref<1x128x128xf32, #tpu.memory_space<vmem>> -> memref<128x128xf32, #tpu.memory_space<vmem>>
    %dma_wait3A_607 = arith.constant 0 : i32
    %dma_wait3A_608 = tpu.memref_slice %arg8[%mul3A_468, %dma_wait3A_607] : memref<16384x128xf32, #tpu.memory_space<hbm>> -> memref<128x128xf32, #tpu.memory_space<hbm>>
    %dma_wait3A_609 = arith.constant 0 : i32
    %dma_wait3A_610 = tpu.memref_slice %arg8[%mul3A_468, %dma_wait3A_609] : memref<16384x128xf32, #tpu.memory_space<hbm>> -> memref<128x128xf32, #tpu.memory_space<hbm>>
    %dma_wait3A_611 = arith.constant 0 : i32
    %dma_wait3A_612 = arith.constant 0 : i32
    %dma_wait3A_613 = tpu.memref_slice %arg14[%dma_wait3A_602, %dma_wait3A_611, %dma_wait3A_612] : memref<6x128x128xf32, #tpu.memory_space<vmem>> -> memref<1x128x128xf32, #tpu.memory_space<vmem>>
    %dma_wait3A_614 = tpu.memref_squeeze %dma_wait3A_613 : memref<1x128x128xf32, #tpu.memory_space<vmem>> -> memref<128x128xf32, #tpu.memory_space<vmem>>
    tpu.wait_dma2 semaphore(%arg17 : memref<!tpu.dma_semaphore, #tpu.memory_space<semaphore_mem>>) src(%dma_wait3A_614 : memref<128x128xf32, #tpu.memory_space<vmem>>) dst(%dma_wait3A_610 : memref<128x128xf32, #tpu.memory_space<hbm>>)
    %dma_wait3A_615 = arith.constant 4 : i32
    %dma_wait3A_616 = arith.constant 0 : i32
    %dma_wait3A_617 = arith.constant 0 : i32
    %dma_wait3A_618 = tpu.memref_slice %arg14[%dma_wait3A_615, %dma_wait3A_616, %dma_wait3A_617] : memref<6x128x128xf32, #tpu.memory_space<vmem>> -> memref<1x128x128xf32, #tpu.memory_space<vmem>>
    %dma_wait3A_619 = tpu.memref_squeeze %dma_wait3A_618 : memref<1x128x128xf32, #tpu.memory_space<vmem>> -> memref<128x128xf32, #tpu.memory_space<vmem>>
    %dma_wait3A_620 = arith.constant 0 : i32
    %dma_wait3A_621 = tpu.memref_slice %arg9[%mul3A_520, %dma_wait3A_620] : memref<16384x128xf32, #tpu.memory_space<hbm>> -> memref<128x128xf32, #tpu.memory_space<hbm>>
    %dma_wait3A_622 = arith.constant 0 : i32
    %dma_wait3A_623 = tpu.memref_slice %arg9[%mul3A_520, %dma_wait3A_622] : memref<16384x128xf32, #tpu.memory_space<hbm>> -> memref<128x128xf32, #tpu.memory_space<hbm>>
    %dma_wait3A_624 = arith.constant 0 : i32
    %dma_wait3A_625 = arith.constant 0 : i32
    %dma_wait3A_626 = tpu.memref_slice %arg14[%dma_wait3A_615, %dma_wait3A_624, %dma_wait3A_625] : memref<6x128x128xf32, #tpu.memory_space<vmem>> -> memref<1x128x128xf32, #tpu.memory_space<vmem>>
    %dma_wait3A_627 = tpu.memref_squeeze %dma_wait3A_626 : memref<1x128x128xf32, #tpu.memory_space<vmem>> -> memref<128x128xf32, #tpu.memory_space<vmem>>
    tpu.wait_dma2 semaphore(%arg17 : memref<!tpu.dma_semaphore, #tpu.memory_space<semaphore_mem>>) src(%dma_wait3A_627 : memref<128x128xf32, #tpu.memory_space<vmem>>) dst(%dma_wait3A_623 : memref<128x128xf32, #tpu.memory_space<hbm>>)
    %dma_wait3A_628 = arith.constant 5 : i32
    %dma_wait3A_629 = arith.constant 0 : i32
    %dma_wait3A_630 = arith.constant 0 : i32
    %dma_wait3A_631 = tpu.memref_slice %arg14[%dma_wait3A_628, %dma_wait3A_629, %dma_wait3A_630] : memref<6x128x128xf32, #tpu.memory_space<vmem>> -> memref<1x128x128xf32, #tpu.memory_space<vmem>>
    %dma_wait3A_632 = tpu.memref_squeeze %dma_wait3A_631 : memref<1x128x128xf32, #tpu.memory_space<vmem>> -> memref<128x128xf32, #tpu.memory_space<vmem>>
    %dma_wait3A_633 = arith.constant 0 : i32
    %dma_wait3A_634 = tpu.memref_slice %arg10[%mul3A_549, %dma_wait3A_633] : memref<16384x128xf32, #tpu.memory_space<hbm>> -> memref<128x128xf32, #tpu.memory_space<hbm>>
    %dma_wait3A_635 = arith.constant 0 : i32
    %dma_wait3A_636 = tpu.memref_slice %arg10[%mul3A_549, %dma_wait3A_635] : memref<16384x128xf32, #tpu.memory_space<hbm>> -> memref<128x128xf32, #tpu.memory_space<hbm>>
    %dma_wait3A_637 = arith.constant 0 : i32
    %dma_wait3A_638 = arith.constant 0 : i32
    %dma_wait3A_639 = tpu.memref_slice %arg14[%dma_wait3A_628, %dma_wait3A_637, %dma_wait3A_638] : memref<6x128x128xf32, #tpu.memory_space<vmem>> -> memref<1x128x128xf32, #tpu.memory_space<vmem>>
    %dma_wait3A_640 = tpu.memref_squeeze %dma_wait3A_639 : memref<1x128x128xf32, #tpu.memory_space<vmem>> -> memref<128x128xf32, #tpu.memory_space<vmem>>
    tpu.wait_dma2 semaphore(%arg17 : memref<!tpu.dma_semaphore, #tpu.memory_space<semaphore_mem>>) src(%dma_wait3A_640 : memref<128x128xf32, #tpu.memory_space<vmem>>) dst(%dma_wait3A_636 : memref<128x128xf32, #tpu.memory_space<hbm>>)
    return
  }
}

module attributes {stable_mosaic.version = 14 : i64} {
  func.func @_dense_body(%arg0: i32, %arg1: memref<4096x128xf32, #tpu.memory_space<vmem>>, %arg2: memref<4096x128xf32, #tpu.memory_space<vmem>>, %arg3: memref<4096x128xf32, #tpu.memory_space<vmem>>, %arg4: memref<128x128xf32, #tpu.memory_space<vmem>>, %arg5: memref<128xf32, #tpu.memory_space<vmem>>, %arg6: memref<128x128xf32, #tpu.memory_space<vmem>>, %arg7: memref<128xf32, #tpu.memory_space<vmem>>, %arg8: memref<128x128xf32, #tpu.memory_space<vmem>>, %arg9: memref<128xf32, #tpu.memory_space<vmem>>, %arg10: memref<4096xf32, #tpu.memory_space<vmem>>) attributes {dimension_semantics = [#tpu.dimension_semantics<arbitrary>], iteration_bounds = array<i64: 4>, scalar_prefetch = 0 : i64, scratch_operands = 0 : i64, tpu.core_type = #tpu.core_type<tc>, window_params = [{transform_indices = @transform_0, window_bounds = array<i64: 4096, 128>}, {transform_indices = @transform_1, window_bounds = array<i64: 4096, 128>}, {transform_indices = @transform_2, window_bounds = array<i64: 4096, 128>}, {pipeline_mode = #tpu.pipeline_mode<synchronous>, transform_indices = @transform_3, window_bounds = array<i64: 128, 128>}, {pipeline_mode = #tpu.pipeline_mode<synchronous>, transform_indices = @transform_4, window_bounds = array<i64: 128>}, {pipeline_mode = #tpu.pipeline_mode<synchronous>, transform_indices = @transform_5, window_bounds = array<i64: 128, 128>}, {pipeline_mode = #tpu.pipeline_mode<synchronous>, transform_indices = @transform_6, window_bounds = array<i64: 128>}, {pipeline_mode = #tpu.pipeline_mode<synchronous>, transform_indices = @transform_7, window_bounds = array<i64: 128, 128>}, {pipeline_mode = #tpu.pipeline_mode<synchronous>, transform_indices = @transform_8, window_bounds = array<i64: 128>}, {transform_indices = @transform_9, window_bounds = array<i64: 4096>}]} {
    %get3A = arith.constant 0 : index
    %get3A_0 = arith.constant 0 : index
    %get3A_1 = vector.load %arg4[%get3A, %get3A_0] : memref<128x128xf32, #tpu.memory_space<vmem>>, vector<128x128xf32>
    %get3A_2 = arith.constant 0 : index
    %get3A_3 = arith.constant 0 : index
    %get3A_4 = vector.load %arg1[%get3A_2, %get3A_3] : memref<4096x128xf32, #tpu.memory_space<vmem>>, vector<4096x128xf32>
    %dot_general3A = arith.constant dense<0.000000e+00> : vector<128x4096xf32>
    %dot_general3A_5 = tpu.matmul %get3A_1, %get3A_4, %dot_general3A {dimension_numbers = #tpu.dot_dimension_numbers<[1], [1], [0], [0], [0, 0, 1, 0], [], []>, transpose_lhs_hint = false} : vector<128x128xf32>, vector<4096x128xf32>, vector<128x4096xf32> -> vector<128x4096xf32>
    %get3A_6 = arith.constant 0 : index
    %get3A_7 = vector.load %arg5[%get3A_6] : memref<128xf32, #tpu.memory_space<vmem>>, vector<128xf32>
    %broadcast_in_dim3A = vector.shape_cast %get3A_7 : vector<128xf32> to vector<128x1xf32>
    %add3A = vector.broadcast %broadcast_in_dim3A : vector<128x1xf32> to vector<128x4096xf32>
    %add3A_8 = arith.addf %dot_general3A_5, %add3A : vector<128x4096xf32>
    %get3A_9 = arith.constant 0 : index
    %get3A_10 = arith.constant 0 : index
    %get3A_11 = vector.load %arg6[%get3A_9, %get3A_10] : memref<128x128xf32, #tpu.memory_space<vmem>>, vector<128x128xf32>
    %get3A_12 = arith.constant 0 : index
    %get3A_13 = arith.constant 0 : index
    %get3A_14 = vector.load %arg2[%get3A_12, %get3A_13] : memref<4096x128xf32, #tpu.memory_space<vmem>>, vector<4096x128xf32>
    %dot_general3A_15 = arith.constant dense<0.000000e+00> : vector<128x4096xf32>
    %dot_general3A_16 = tpu.matmul %get3A_11, %get3A_14, %dot_general3A_15 {dimension_numbers = #tpu.dot_dimension_numbers<[1], [1], [0], [0], [0, 0, 1, 0], [], []>, transpose_lhs_hint = false} : vector<128x128xf32>, vector<4096x128xf32>, vector<128x4096xf32> -> vector<128x4096xf32>
    %get3A_17 = arith.constant 0 : index
    %get3A_18 = vector.load %arg7[%get3A_17] : memref<128xf32, #tpu.memory_space<vmem>>, vector<128xf32>
    %broadcast_in_dim3A_19 = vector.shape_cast %get3A_18 : vector<128xf32> to vector<128x1xf32>
    %add3A_20 = vector.broadcast %broadcast_in_dim3A_19 : vector<128x1xf32> to vector<128x4096xf32>
    %add3A_21 = arith.addf %dot_general3A_16, %add3A_20 : vector<128x4096xf32>
    %get3A_22 = arith.constant 0 : index
    %get3A_23 = arith.constant 0 : index
    %get3A_24 = vector.load %arg8[%get3A_22, %get3A_23] : memref<128x128xf32, #tpu.memory_space<vmem>>, vector<128x128xf32>
    %get3A_25 = arith.constant 0 : index
    %get3A_26 = arith.constant 0 : index
    %get3A_27 = vector.load %arg3[%get3A_25, %get3A_26] : memref<4096x128xf32, #tpu.memory_space<vmem>>, vector<4096x128xf32>
    %dot_general3A_28 = arith.constant dense<0.000000e+00> : vector<128x4096xf32>
    %dot_general3A_29 = tpu.matmul %get3A_24, %get3A_27, %dot_general3A_28 {dimension_numbers = #tpu.dot_dimension_numbers<[1], [1], [0], [0], [0, 0, 1, 0], [], []>, transpose_lhs_hint = false} : vector<128x128xf32>, vector<4096x128xf32>, vector<128x4096xf32> -> vector<128x4096xf32>
    %get3A_30 = arith.constant 0 : index
    %get3A_31 = vector.load %arg9[%get3A_30] : memref<128xf32, #tpu.memory_space<vmem>>, vector<128xf32>
    %broadcast_in_dim3A_32 = vector.shape_cast %get3A_31 : vector<128xf32> to vector<128x1xf32>
    %add3A_33 = vector.broadcast %broadcast_in_dim3A_32 : vector<128x1xf32> to vector<128x4096xf32>
    %add3A_34 = arith.addf %dot_general3A_29, %add3A_33 : vector<128x4096xf32>
    %mul3A = arith.mulf %add3A_8, %add3A_21 : vector<128x4096xf32>
    %mul3A_35 = arith.mulf %mul3A, %add3A_34 : vector<128x4096xf32>
    %reduce_sum3A = arith.constant dense<0.000000e+00> : vector<4096xf32>
    %reduce_sum3A_36 = vector.multi_reduction <add>, %mul3A_35, %reduce_sum3A [0] : vector<128x4096xf32> to vector<4096xf32>
    %logistic3A = arith.negf %reduce_sum3A_36 : vector<4096xf32>
    %logistic3A_37 = math.exp %logistic3A : vector<4096xf32>
    %logistic3A_38 = arith.constant 1.000000e+00 : f32
    %logistic3A_39 = vector.broadcast %logistic3A_38 : f32 to vector<4096xf32>
    %logistic3A_40 = arith.addf %logistic3A_39, %logistic3A_37 : vector<4096xf32>
    %logistic3A_41 = arith.divf %logistic3A_39, %logistic3A_40 : vector<4096xf32>
    %swap3A = arith.constant 0 : index
    %swap3A_42 = vector.load %arg10[%swap3A] : memref<4096xf32, #tpu.memory_space<vmem>>, vector<4096xf32>
    tpu.vector_store %arg10[%swap3A], %logistic3A_41 {strides = array<i32>} : memref<4096xf32, #tpu.memory_space<vmem>>, vector<4096xf32>,
    return
  }
  func.func @transform_0(%arg0: i32) -> (i32, i32) {
    %c0_i32 = arith.constant 0 : i32
    %c0_i32_0 = arith.constant 0 : i32
    return %arg0, %c0_i32 : i32, i32
  }
  func.func @transform_1(%arg0: i32) -> (i32, i32) {
    %c0_i32 = arith.constant 0 : i32
    %c0_i32_0 = arith.constant 0 : i32
    return %arg0, %c0_i32 : i32, i32
  }
  func.func @transform_2(%arg0: i32) -> (i32, i32) {
    %c0_i32 = arith.constant 0 : i32
    %c0_i32_0 = arith.constant 0 : i32
    return %arg0, %c0_i32 : i32, i32
  }
  func.func @transform_3(%arg0: i32) -> (i32, i32) {
    %c0_i32 = arith.constant 0 : i32
    %c0_i32_0 = arith.constant 0 : i32
    %c0_i32_1 = arith.constant 0 : i32
    return %c0_i32, %c0_i32_0 : i32, i32
  }
  func.func @transform_4(%arg0: i32) -> i32 {
    %c0_i32 = arith.constant 0 : i32
    %c0_i32_0 = arith.constant 0 : i32
    return %c0_i32 : i32
  }
  func.func @transform_5(%arg0: i32) -> (i32, i32) {
    %c0_i32 = arith.constant 0 : i32
    %c0_i32_0 = arith.constant 0 : i32
    %c0_i32_1 = arith.constant 0 : i32
    return %c0_i32, %c0_i32_0 : i32, i32
  }
  func.func @transform_6(%arg0: i32) -> i32 {
    %c0_i32 = arith.constant 0 : i32
    %c0_i32_0 = arith.constant 0 : i32
    return %c0_i32 : i32
  }
  func.func @transform_7(%arg0: i32) -> (i32, i32) {
    %c0_i32 = arith.constant 0 : i32
    %c0_i32_0 = arith.constant 0 : i32
    %c0_i32_1 = arith.constant 0 : i32
    return %c0_i32, %c0_i32_0 : i32, i32
  }
  func.func @transform_8(%arg0: i32) -> i32 {
    %c0_i32 = arith.constant 0 : i32
    %c0_i32_0 = arith.constant 0 : i32
    return %c0_i32 : i32
  }
  func.func @transform_9(%arg0: i32) -> i32 {
    %c0_i32 = arith.constant 0 : i32
    return %arg0 : i32
  }
}

</mosaic_0001>

<sc_bundles>
// kernel: kernel.4.cloned.1.call-start
scs
__scs_entry_jumppad:
0x0: {  	(pc) =	sbr.rel $0x88, $3  }
0x1: {  	(tag) =	ssettag $0x0;
	lr =	simm.s32 $0x1  }
0x2: {  	[smem:$0x3F95] =	sst lr;
	_ =	strace $0xD0000000  }
0x3: {  	_ = 	snop  }
0x4: {  	_ = 	snop  }
0x5: {  	_ = 	snop  }
0x6: {  	_ = 	snop  }
0x7: {  	_ = 	snop  }
__scs_overlays_trampoline_lowered:
0x8: {  	[smem:$0x3FA4] =	sst s0  }
0x9: {  	[smem:$0x3FA5] =	sst s1  }
0xa: {  	[smem:$0x3FA6] =	sst s2  }
0xb: {  	[smem:$0x3FA7] =	sst s3  }
0xc: {  	[smem:$0x3FA8] =	sst s4  }
0xd: {  	[smem:$0x3FA9] =	sst s5  }
0xe: {  	[smem:$0x3FAA] =	sst s6  }
0xf: {  	[smem:$0x3FAB] =	sst s7  }
0x10: {  	[smem:$0x3FAC] =	sst s8  }
0x11: {  	[smem:$0x3FAD] =	sst s9;
	s0 =	simm.s32 @!p0 $0x0  }
0x12: {  	s1 =	sld [smem:$0x3F93];
	s0 =	simm.s32 @p0 $0x1  }
0x13: {  	[smem:$0x3FAE] =	sst s0;
	s0 =	simm.s32 @!p1 $0x0  }
0x14: {  	s2 =	sld [smem:$0x3F92];
	s0 =	simm.s32 @p1 $0x1  }
0x15: {  	[smem:$0x3FAF] =	sst s0;
	s0 =	simm.s32 @!p2 $0x0  }
0x16: {  	s3 =	sld [smem:$0x3FDB];
	s0 =	simm.s32 @p2 $0x1  }
0x17: {  	s4 =	simm.s32 $0x1BF5;
	[smem:$0x3FB1] =	sst s0  }
0x18: {  	s0 =	sld [smem:$0x3F94];
	_ =	swait.ge [sflag:s4], $0x0  }
0x19: {  	s7 =	sld [smem:$0x3F95]  }
0x1a: {  	s8 =	sadd.s32 $0xFFFFE003, lr  }
0x1b: {  	s9 =	sadd.s32 $0xFFFFFEF7, lr;
	s5 =	simm.s32 $0xFFFFFFFF;
	p2 =	slt.u32 s8, $0xFFFFF086  }
0x1c: {  	p1 =	slt.u32 s9, $0xF7A;
	s5 =	simm.s32 @!p2 $0x0  }
0x1d: {  	s5 =	simm.s32 @p1 $0x1;
	p0 =	seq.s32 s7, s2  }
0x1e: {  	s7 =	smul.u32 @!p0 $0xF7A, s2;
	p2 =	seq.s32 @!p0 s5, $0x0  }
0x1f: {  	s9 =	smul.u32 $0xF7A, s1;
	s8 =	simm.s32 @!p0 $0x1BF5;
	p2 =	por !p2, p0  }
0x20: {  	[sflag:s8] =	ssyncset.s32 @!p0 $0xFFFFF086;
	s6 =	sadd.s32 @!p0 s3, s7;
	s7 =	simm.s32 @!p0 $0x108  }
0x21: {  	s3 =	sadd.s32 s3, s9;
	s6 =	sadd.s32 @!p0 $0x88, s6;
	s7 =	simm.s32 @p2 $0x1082  }
0x22: {  	[simem:s7], [sflag:s8] =	dma.local @!p0 [hbm:s6], $0xF7A  }
0x23: {  	s9 =	sor.u32 $0xD0000000, s2;
	s6 =	simm.s32 $0x108;
	_ =	swait.ge @!p0 [sflag:s8], $0x0  }
0x24: {  	s3 =	sadd.s32 $0x88, s3;
	s6 =	simm.s32 @!p1 $0x1082;
	[sflag:s4] =	ssyncset.s32 $0xFFFFF086  }
0x25: {  	[simem:s6], [sflag:s4] =	dma.local [hbm:s3], $0xF7A  }
0x26: {  	[smem:$0x3F95] =	sst s1;
	(tag) =	ssettag s2;
	_ =	strace s9  }
0x27: {  	s1 =	sld [smem:$0x3FA5]  }
0x28: {  	s2 =	sld [smem:$0x3FA6]  }
0x29: {  	s4 =	sld [smem:$0x3FA8]  }
0x2a: {  	p0 =	seq.s32 s5, $0x0;
	s5 =	sld [smem:$0x3FA9]  }
0x2b: {  	s6 =	sld [smem:$0x3FAA]  }
0x2c: {  	s7 =	sld [smem:$0x3FAB]  }
0x2d: {  	s3 =	simm.s32 $0x108;
	s8 =	sld [smem:$0x3FAC]  }
0x2e: {  	s3 =	simm.s32 @!p0 $0x1082;
	s9 =	sld [smem:$0x3FAD]  }
0x2f: {  	lr =	sadd.s32 s0, s3;
	s0 =	sld [smem:$0x3FA4]  }
0x30: {  	s3 =	sld [smem:$0x3FA7]  }
0x31: {  	[smem:$0x3FB0] =	sst s10  }
0x32: {  	s10 =	sld [smem:$0x3FAE];
	_ =	sdelay $0x3  }
0x33: {  	p0 =	seq.s32 s10, $0x1;
	s10 =	sld [smem:$0x3FB0];
	_ =	sdelay $0x3  }
0x34: {  	[smem:$0x3FB0] =	sst s10  }
0x35: {  	s10 =	sld [smem:$0x3FAF];
	_ =	sdelay $0x3  }
0x36: {  	p1 =	seq.s32 s10, $0x1;
	s10 =	sld [smem:$0x3FB0];
	_ =	sdelay $0x3  }
0x37: {  	[smem:$0x3FB0] =	sst s10  }
0x38: {  	s10 =	sld [smem:$0x3FB1]  }
0x39: {  	_ = 	snop;
	(pc) =	sbr.ind lr, $3  }
0x3a: {  	_ = 	snop  }
0x3b: {  	_ = 	snop  }
0x3c: {  	p2 =	seq.s32 s10, $0x1;
	s10 =	sld [smem:$0x3FB0]  }
0x3d: {  	_ =	shalt  }
0x3e: {  	_ =	shalt  }
0x3f: {  	_ =	shalt  }
0x40: {  	_ =	shalt  }
0x41: {  	_ =	shalt  }
0x42: {  	_ =	shalt  }
0x43: {  	_ =	shalt  }
0x44: {  	_ =	shalt  }
0x45: {  	_ =	shalt  }
0x46: {  	_ =	shalt  }
0x47: {  	_ =	shalt  }
0x48: {  	_ =	shalt  }
0x49: {  	_ =	shalt  }
0x4a: {  	_ =	shalt  }
0x4b: {  	_ =	shalt  }
0x4c: {  	_ =	shalt  }
0x4d: {  	_ =	shalt  }
0x4e: {  	_ =	shalt  }
0x4f: {  	_ =	shalt  }
0x50: {  	_ =	shalt  }
0x51: {  	_ =	shalt  }
0x52: {  	_ =	shalt  }
0x53: {  	_ =	shalt  }
0x54: {  	_ =	shalt  }
0x55: {  	_ =	shalt  }
0x56: {  	_ =	shalt  }
0x57: {  	_ =	shalt  }
0x58: {  	_ =	shalt  }
0x59: {  	_ =	shalt  }
0x5a: {  	_ =	shalt  }
0x5b: {  	_ =	shalt  }
0x5c: {  	_ =	shalt  }
0x5d: {  	_ =	shalt  }
0x5e: {  	_ =	shalt  }
0x5f: {  	_ =	shalt  }
0x60: {  	_ =	shalt  }
0x61: {  	_ =	shalt  }
0x62: {  	_ =	shalt  }
0x63: {  	_ =	shalt  }
0x64: {  	_ =	shalt  }
0x65: {  	_ =	shalt  }
0x66: {  	_ =	shalt  }
0x67: {  	_ =	shalt  }
0x68: {  	_ =	shalt  }
0x69: {  	_ =	shalt  }
0x6a: {  	_ =	shalt  }
0x6b: {  	_ =	shalt  }
0x6c: {  	_ =	shalt  }
0x6d: {  	_ =	shalt  }
0x6e: {  	_ =	shalt  }
0x6f: {  	_ =	shalt  }
0x70: {  	_ =	shalt  }
0x71: {  	_ =	shalt  }
0x72: {  	_ =	shalt  }
0x73: {  	_ =	shalt  }
0x74: {  	_ =	shalt  }
0x75: {  	_ =	shalt  }
0x76: {  	_ =	shalt  }
0x77: {  	_ =	shalt  }
0x78: {  	_ =	shalt  }
0x79: {  	_ =	shalt  }
0x7a: {  	_ =	shalt  }
0x7b: {  	_ =	shalt  }
0x7c: {  	_ =	shalt  }
0x7d: {  	_ =	shalt  }
0x7e: {  	_ =	shalt  }
0x7f: {  	_ =	shalt  }
0x80: {  	_ =	shalt  }
0x81: {  	_ =	shalt  }
0x82: {  	_ =	shalt  }
0x83: {  	_ =	shalt  }
0x84: {  	_ =	shalt  }
0x85: {  	_ =	shalt  }
0x86: {  	_ =	shalt  }
0x87: {  	_ =	shalt  }
.Lfunc_end0:
.L_simem_size_0:
called_computation_lowered:
.L_overlay_start_0:
0x88: {  	s2 =	sld [smem:$0x3FD9]  }
0x89: {  	s3 =	sld [smem:$0x3FFE];
	_ =	sdelay $0x1  }
0x8a: {  	s1 =	srdreg.scid  }
0x8b: {  	s0 =	sand.u32 $0x1, s1  }
0x8c: {  	s17 =	sshll.u32 s0, $0xA;
	s2 =	sadd.s32 s3, s2  }
0x8d: {  	s2 =	sadd.s32 s2, s17  }
0x8e: {  	[smem:$0x3FBC] =	sst s2  }
0x8f: {  	_ = 	snop  }
0x90: {  	s2 =	sld [smem:$0x3FC9]  }
0x91: {  	s18 =	sld [smem:$0x3FC8]  }
0x92: {  	s4 =	sld [smem:$0x3FC7]  }
0x93: {  	s5 =	sld [smem:$0x3FC6]  }
0x94: {  	s6 =	sld [smem:$0x3FC5]  }
0x95: {  	s7 =	sld [smem:$0x3FC4];
	(tm) =	ssettm $0x1  }
0x96: {  	s8 =	sld [smem:$0x3FFB];
	_ =	sdelay $0x3  }
0x97: {  	_ =	strace s8  }
0x98: {  	s8 =	sld [smem:$0x3FFC];
	_ =	sdelay $0x3  }
0x99: {  	_ =	strace s8  }
0x9a: {  	s8 =	sld [smem:$0x3FFD];
	_ =	sdelay $0x3  }
0x9b: {  	_ =	strace s8  }
0x9c: {  	_ =	strace $0x8FFFFFFF  }
0x9d: {  	s19 =	sld [smem:$0x3FDB];
	_ =	sdelay $0x1  }
0x9e: {  	s9 =	simm.s32 $_scs_section_size  }
0x9f: {  	s10 =	simm.s32 $_size__tile_overlayer_lowered;
	s11 =	simm.s32 $_tile_overlayer_lowered  }
0xa0: {  	s22 =	simm.s32 $0x1BFF;
	s21 =	sshll.u32 s11, $0x1;
	s8 =	sadd.s32 s9, s19  }
0xa1: {  	s12 =	simm.s32 $0x0;
	s20 =	sshll.u32 s10, $0x1;
	s10 =	sadd.s32 s21, s8  }
0xa2: {  	[timem:s12], [sflag:s22] =	dma.local [hbm:s10], s20  }
0xa3: {  	_ =	swait.ge [sflag:s22], s20  }
0xa4: {  	s9 =	ssub.s32 $0x0, s20;
	[sflag:s22] =	ssyncset.done $0x0  }
0xa5: {  	[sflag:s22] =	ssyncadd.s32 s9;
	_ =	sdelay $0x1  }
0xa6: {  	s23 =	simm.s32 $0x1B8B  }
0xa7: {  	_ =	swait.ge [sflag:s23], $0x1  }
0xa8: {  	[sflag:s23] =	ssyncset.done $0x0  }
0xa9: {  	s25 =	simm.s32 $0x1B8E;
	s24 =	sld [smem:$0x3FFE];
	[sflag:s23] =	ssyncadd.s32 $0xFFFFFFFF  }
0xaa: {  	s26 =	simm.s32 $execute0_lowered;
	[smem:$0x3FD2] =	sst s25  }
0xab: {  	s10 =	sshll.u32 s26, $0x1;
	_ =	strace $0x80000046;
	[dreg:$0x1] =	wrdreg $0xFFFFFFFF  }
0xac: {  	s28 =	simm.s32 $_size_execute0_lowered;
	s8 =	sadd.s32 s8, s10;
	[dreg:$0x0] =	wrdreg $0x0  }
0xad: {  	s10 =	sshll.u32 s28, $0x1;
	[dreg:$0x2] =	wrdreg s8  }
0xae: {  	[dreg:$0x3] =	wrdreg s10  }
0xaf: {  	[dreg:$0x4] =	wrdreg $0xC0  }
0xb0: {  	_ =	task [dreg:s12], $0x5FFFF  }
0xb1: {  	[dreg:$0x1] =	wrdreg $0xFFFFFFFF  }
0xb2: {  	[dreg:$0x0] =	wrdreg $0x60  }
0xb3: {  	[dreg:$0x2] =	wrdreg s2  }
0xb4: {  	[dreg:$0x3] =	wrdreg s18  }
0xb5: {  	[dreg:$0x4] =	wrdreg s4  }
0xb6: {  	[dreg:$0x5] =	wrdreg s5  }
0xb7: {  	[dreg:$0x6] =	wrdreg s6  }
0xb8: {  	[dreg:$0x7] =	wrdreg s7  }
0xb9: {  	[dreg:$0x8] =	wrdreg s24  }
0xba: {  	[dreg:$0x9] =	wrdreg $0x9  }
0xbb: {  	_ =	task.clear_ibuf [dreg:s12], $0xAFFFF;
	_ =	strace $0x90000046  }
0xbc: {  	s29 =	simm.s32 $0x9;
	_ =	strace $0x80000048  }
0xbd: {  	_ =	swait.ge [sflag:s29], $0x1  }
0xbe: {  	[sflag:s29] =	ssyncadd.s32 $0xFFFFFFFF  }
0xbf: {  	_ =	strace $0x90000048  }
0xc0: {  	_ =	sfence  }
0xc1: {  	s30 =	sld [smem:$0x0];
	_ =	sdelay $0x2  }
0xc2: {  	s31 =	sshll.u32 s1, $0xD;
	s1 =	sshrl.u32 s1, $0x2  }
0xc3: {  	s3 =	sand.u32 $0x4000, s31;
	s1 =	sadd.s32 s1, s30  }
0xc4: {  	s0 =	sor.u32 s3, s0;
	s1 =	sshll.u32 s1, $0x11  }
0xc5: {  	s0 =	sor.u32 s1, s0  }
0xc6: {  	s0 =	sadd.s32 $0x8F2B, s0  }
0xc7: {  	[sflag:s0] =	ssyncadd.remote.s32 $0x1  }
0xc8: {  	_ =	sfence.sel $0xFFFF  }
0xc9: {  	[dreg:$0x0] =	wrdreg $0xFFFFFFFF;
	(pc) =	sbr.abs _section_cstart, $3  }
0xca: {  	[dreg:$0x1] =	wrdreg $0xFFFFFFFF  }
0xcb: {  	_ =	task.clear_ibuf [dreg:s12], $0x2FFFF;
	_ =	strace $0x9FFFFFFF  }
0xcc: {  	(tm) =	ssettm $0x7FFFFFFF  }
0xcd: {  	_ =	shalt  }
tec
execute0_lowered:
.L_overlay_start_1:
0x0: {  	(tag) =	ssettag $0x1  }
0x1: {  	s0 =	rddreg [dreg:$0x0]  }
0x2: {  	s1 =	rddreg [dreg:$0x1]  }
0x3: {  	s6 =	rddreg [dreg:$0x2]  }
0x4: {  	s5 =	rddreg [dreg:$0x3]  }
0x5: {  	s4 =	rddreg [dreg:$0x4]  }
0x6: {  	s3 =	rddreg [dreg:$0x5];
	s2 =	srdreg.scid  }
0x7: {  	s18 =	stileid.u32;
	s7 =	rddreg [dreg:$0x6];
	s30 =	simm.s32 $0x200  }
0x8: {  	s29 =	simm.s32 $0x400;
	s31 =	simm.s32 $0x1;
	s28 =	simm.s32 $0x480  }
0x9: {  	p0 =	por $0x0, $0x0;
	s8 =	sand.u32 $0x1, s2;
	s9 =	sshll.u32 s18, $0x1  }
0xa: {  	s2 =	simm.s32 $0x0;
	s11 =	sadd.s32 $0x1800, s7;
	s13 =	sadd.s32 $0x41800, s7  }
0xb: {  	s7 =	sadd.s32 $0x81800, s7;
	s9 =	sor.u32 s8, s9;
	[smem:$0x7FF] =	sst s2  }
0xc: {  	s8 =	ssub.s32 $0x2, s8;
	s10 =	sshll.u32 s9, $0x6;
	_ =	strace $0x80000047  }
0xd: {  	s23 =	sshrl.u32 s8, $0x1;
	s0 =	sadd.s32 s0, s10;
	s26 =	sadd.s32 s1, s10  }
0xe: {  	s1 =	sadd.s32 s6, s10;
	s6 =	sshll.u32 s9, $0xD;
	[dreg:$0x8] =	wrdreg s0  }
0xf: {  	s12 =	ssub.s32 s8, s23;
	s23 =	simm.s32 $0x180;
	[dreg:$0x9] =	wrdreg s26  }
0x10: {  	[dreg:$0xa] =	wrdreg s1;
	s15 =	sadd.s32 s11, s6;
	s16 =	sadd.s32 s13, s6  }
0x11: {  	s17 =	sadd.s32 s7, s6;
	s9 =	sor.u32 $0x800, s6;
	s22 =	sor.u32 $0x1000, s6  }
0x12: {  	s25 =	sor.u32 $0x1800, s6;
	s26 =	smax.u32 s12, $0x1;
	[dreg:$0xb] =	wrdreg s15  }
0x13: {  	s12 =	simm.s32 $0x14600;
	s6 =	simm.s32 $0x3;
	[dreg:$0xc] =	wrdreg s16  }
0x14: {  	[dreg:$0xd] =	wrdreg s17;
	s19 =	sadd.s32 s11, s9;
	s20 =	sadd.s32 s13, s9  }
0x15: {  	s21 =	sadd.s32 s7, s9;
	s24 =	sadd.s32 s11, s22;
	s16 =	sadd.s32 s13, s22  }
0x16: {  	s14 =	sadd.s32 s7, s22;
	s10 =	sadd.s32 s11, s25;
	s8 =	sadd.s32 s13, s25  }
0x17: {  	s7 =	sadd.s32 s7, s25;
	s11 =	simm.s32 $0x80;
	s9 =	simm.s32 $0x2  }
0x18: {  	s17 =	simm.s32 $0x8600;
	p1 =	sne.s32 s26, $0x1;
	s0 =	rddreg [dreg:$0x8]  }
.Ltmp0:
0x19: {  	s15 =	simm.s32 $0xC600;
	[dreg:$0xe] =	wrdreg s19;
	(pc) =	sbr.rel @!p1 .LBB2_1-.Ltmp0, $4  }
0x1a: {  	s13 =	simm.s32 $0x10600;
	s1 =	sadd.s32 $0xFFFFFFFF, s26;
	[dreg:$0xf] =	wrdreg s20  }
0x1b: {  	s26 =	simm.s32 $0x100;
	s25 =	simm.s32 $0x300;
	[dreg:$0x10] =	wrdreg s21  }
0x1c: {  	s22 =	simm.s32 $0x380;
	[dreg:$0x11] =	wrdreg s24;
	s21 =	simm.s32 $0x600  }
0x1d: {  	s19 =	simm.s32 $0x4600;
	s24 =	simm.s32 $0x500;
	s20 =	simm.s32 $0x580  }
0x1e: {  	[tilespmem:s2], [sflag:$0x1] =	stream.linear.gather [hbm4b:s0+s2], $0x200, $0x38;
	[tilespmem:$0x18600] =	vst v63  }
0x1f: {  	s18 =	smov.u32 s1;
	s1 =	rddreg [dreg:$0x9]  }
0x20: {  	[tilespmem:s30], [sflag:$0x1] =	stream.linear.gather [hbm4b:s1+s2], $0x200, $0x38;
	[tilespmem:$0x18600] =	vst v63  }
0x21: {  	s0 =	rddreg [dreg:$0xa]  }
0x22: {  	[tilespmem:s29], [sflag:$0x1] =	stream.linear.gather [hbm4b:s0+s2], $0x200, $0x38;
	[tilespmem:$0x18600] =	vst v63  }
0x23: {  	_ =	swait.ge [sflag:s31], $0x200  }
0x24: {  	[sflag:s31] =	ssyncset.done $0x0  }
0x25: {  	[sflag:s31] =	ssyncadd.s32 $0xFFFFFE00  }
0x26: {  	_ =	swait.ge [sflag:s31], $0x200  }
0x27: {  	[sflag:s31] =	ssyncset.done $0x0  }
0x28: {  	[sflag:s31] =	ssyncadd.s32 $0xFFFFFE00  }
0x29: {  	_ =	swait.ge [sflag:s31], $0x200  }
0x2a: {  	[sflag:s31] =	ssyncset.done $0x0  }
0x2b: {  	[sflag:s31] =	ssyncadd.s32 $0xFFFFFE00  }
0x2c: {  	[tilespmem:s21], [sflag:$0x2] =	stream.indirect.gather [hbm4b:s5+s11], $0x80, s2, s11, $0xb8;
	[tilespmem:$0x18600] =	vst v63  }
0x2d: {  	_ = 	snop  }
0x2e: {  	[tilespmem:s19], [sflag:$0x2] =	stream.indirect.gather [hbm4b:s4+s11], $0x80, s30, s11, $0xb8;
	[tilespmem:$0x18600] =	vst v63  }
0x2f: {  	_ =	swait.ge [sflag:s9], $0x4000  }
0x30: {  	[sflag:s9] =	ssyncset.done $0x0  }
0x31: {  	s1 =	rddreg [dreg:$0xb];
	[sflag:s9] =	ssyncadd.s32 $0xFFFFC000  }
0x32: {  	[hbm4b:s1+s2] =	stream.linear.scatter [tilespmem:s21], [sflag:$0x3], $0x4000, $0x38;
	[tilespmem:$0x18600] =	vst v63  }
0x33: {  	_ = 	snop  }
0x34: {  	[tilespmem:s17], [sflag:$0x2] =	stream.indirect.gather [hbm4b:s3+s11], $0x80, s29, s11, $0xb8;
	[tilespmem:$0x18600] =	vst v63  }
0x35: {  	_ =	swait.ge [sflag:s9], $0x4000  }
0x36: {  	[sflag:s9] =	ssyncset.done $0x0  }
0x37: {  	s1 =	rddreg [dreg:$0xc];
	[sflag:s9] =	ssyncadd.s32 $0xFFFFC000  }
0x38: {  	[hbm4b:s1+s2] =	stream.linear.scatter [tilespmem:s19], [sflag:$0x3], $0x4000, $0x38;
	[tilespmem:$0x18600] =	vst v63  }
0x39: {  	_ = 	snop  }
0x3a: {  	[tilespmem:s15], [sflag:$0x2] =	stream.indirect.gather [hbm4b:s5+s11], $0x80, s11, s11, $0xb8;
	[tilespmem:$0x18600] =	vst v63  }
0x3b: {  	_ =	swait.ge [sflag:s9], $0x4000  }
0x3c: {  	[sflag:s9] =	ssyncset.done $0x0  }
0x3d: {  	s1 =	rddreg [dreg:$0xd];
	[sflag:s9] =	ssyncadd.s32 $0xFFFFC000  }
0x3e: {  	[hbm4b:s1+s2] =	stream.linear.scatter [tilespmem:s17], [sflag:$0x3], $0x4000, $0x38;
	[tilespmem:$0x18600] =	vst v63  }
0x3f: {  	s1 =	simm.s32 $0x280  }
0x40: {  	[tilespmem:s13], [sflag:$0x2] =	stream.indirect.gather [hbm4b:s4+s11], $0x80, s1, s11, $0xb8;
	[tilespmem:$0x18600] =	vst v63  }
0x41: {  	_ =	swait.ge [sflag:s9], $0x4000  }
0x42: {  	[sflag:s9] =	ssyncset.done $0x0  }
0x43: {  	s1 =	rddreg [dreg:$0xe];
	[sflag:s9] =	ssyncadd.s32 $0xFFFFC000  }
0x44: {  	[hbm4b:s1+s2] =	stream.linear.scatter [tilespmem:s15], [sflag:$0x3], $0x4000, $0x38;
	[tilespmem:$0x18600] =	vst v63  }
0x45: {  	_ = 	snop  }
0x46: {  	[tilespmem:s12], [sflag:$0x2] =	stream.indirect.gather [hbm4b:s3+s11], $0x80, s28, s11, $0xb8;
	[tilespmem:$0x18600] =	vst v63  }
0x47: {  	_ =	swait.ge [sflag:s9], $0x4000  }
0x48: {  	[sflag:s9] =	ssyncset.done $0x0  }
0x49: {  	s1 =	rddreg [dreg:$0xf];
	[sflag:s9] =	ssyncadd.s32 $0xFFFFC000  }
0x4a: {  	[hbm4b:s1+s2] =	stream.linear.scatter [tilespmem:s13], [sflag:$0x3], $0x4000, $0x38;
	[tilespmem:$0x18600] =	vst v63  }
0x4b: {  	_ =	swait.ge [sflag:s6], $0x4000  }
0x4c: {  	[sflag:s6] =	ssyncset.done $0x0  }
0x4d: {  	[sflag:s6] =	ssyncadd.s32 $0xFFFFC000  }
0x4e: {  	[tilespmem:s21], [sflag:$0x2] =	stream.indirect.gather [hbm4b:s5+s11], $0x80, s26, s11, $0xb8;
	[tilespmem:$0x18600] =	vst v63  }
0x4f: {  	_ =	swait.ge [sflag:s9], $0x4000  }
0x50: {  	[sflag:s9] =	ssyncset.done $0x0  }
0x51: {  	s1 =	rddreg [dreg:$0x10];
	[sflag:s9] =	ssyncadd.s32 $0xFFFFC000  }
0x52: {  	[hbm4b:s1+s2] =	stream.linear.scatter [tilespmem:s12], [sflag:$0x3], $0x4000, $0x38;
	[tilespmem:$0x18600] =	vst v63  }
0x53: {  	_ =	swait.ge [sflag:s6], $0x4000  }
0x54: {  	[sflag:s6] =	ssyncset.done $0x0  }
0x55: {  	[sflag:s6] =	ssyncadd.s32 $0xFFFFC000  }
0x56: {  	[tilespmem:s19], [sflag:$0x2] =	stream.indirect.gather [hbm4b:s4+s11], $0x80, s25, s11, $0xb8;
	[tilespmem:$0x18600] =	vst v63  }
0x57: {  	_ =	swait.ge [sflag:s9], $0x4000  }
0x58: {  	[sflag:s9] =	ssyncset.done $0x0  }
0x59: {  	s1 =	rddreg [dreg:$0x11];
	[sflag:s9] =	ssyncadd.s32 $0xFFFFC000  }
0x5a: {  	[hbm4b:s1+s2] =	stream.linear.scatter [tilespmem:s21], [sflag:$0x3], $0x4000, $0x38;
	[tilespmem:$0x18600] =	vst v63  }
0x5b: {  	_ =	swait.ge [sflag:s6], $0x4000  }
0x5c: {  	[sflag:s6] =	ssyncset.done $0x0  }
0x5d: {  	[sflag:s6] =	ssyncadd.s32 $0xFFFFC000  }
0x5e: {  	[tilespmem:s17], [sflag:$0x2] =	stream.indirect.gather [hbm4b:s3+s11], $0x80, s24, s11, $0xb8;
	[tilespmem:$0x18600] =	vst v63  }
0x5f: {  	_ =	swait.ge [sflag:s9], $0x4000  }
0x60: {  	[sflag:s9] =	ssyncset.done $0x0  }
0x61: {  	[sflag:s9] =	ssyncadd.s32 $0xFFFFC000  }
0x62: {  	[hbm4b:s16+s2] =	stream.linear.scatter [tilespmem:s19], [sflag:$0x3], $0x4000, $0x38;
	[tilespmem:$0x18600] =	vst v63  }
0x63: {  	_ =	swait.ge [sflag:s6], $0x4000  }
0x64: {  	[sflag:s6] =	ssyncset.done $0x0  }
0x65: {  	[sflag:s6] =	ssyncadd.s32 $0xFFFFC000  }
0x66: {  	[tilespmem:s15], [sflag:$0x2] =	stream.indirect.gather [hbm4b:s5+s11], $0x80, s23, s11, $0xb8;
	[tilespmem:$0x18600] =	vst v63  }
0x67: {  	_ =	swait.ge [sflag:s9], $0x4000  }
0x68: {  	[sflag:s9] =	ssyncset.done $0x0  }
0x69: {  	[sflag:s9] =	ssyncadd.s32 $0xFFFFC000  }
0x6a: {  	[hbm4b:s14+s2] =	stream.linear.scatter [tilespmem:s17], [sflag:$0x3], $0x4000, $0x38;
	[tilespmem:$0x18600] =	vst v63  }
0x6b: {  	_ =	swait.ge [sflag:s6], $0x4000  }
0x6c: {  	[sflag:s6] =	ssyncset.done $0x0  }
0x6d: {  	[sflag:s6] =	ssyncadd.s32 $0xFFFFC000  }
0x6e: {  	[tilespmem:s13], [sflag:$0x2] =	stream.indirect.gather [hbm4b:s4+s11], $0x80, s22, s11, $0xb8;
	[tilespmem:$0x18600] =	vst v63  }
0x6f: {  	_ =	swait.ge [sflag:s9], $0x4000  }
0x70: {  	[sflag:s9] =	ssyncset.done $0x0  }
0x71: {  	[sflag:s9] =	ssyncadd.s32 $0xFFFFC000  }
0x72: {  	[hbm4b:s10+s2] =	stream.linear.scatter [tilespmem:s15], [sflag:$0x3], $0x4000, $0x38;
	[tilespmem:$0x18600] =	vst v63  }
0x73: {  	_ =	swait.ge [sflag:s6], $0x4000  }
0x74: {  	[sflag:s6] =	ssyncset.done $0x0  }
0x75: {  	[sflag:s6] =	ssyncadd.s32 $0xFFFFC000  }
0x76: {  	[tilespmem:s12], [sflag:$0x2] =	stream.indirect.gather [hbm4b:s3+s11], $0x80, s20, s11, $0xb8;
	[tilespmem:$0x18600] =	vst v63  }
0x77: {  	_ =	swait.ge [sflag:s9], $0x4000  }
0x78: {  	[sflag:s9] =	ssyncset.done $0x0  }
0x79: {  	[sflag:s9] =	ssyncadd.s32 $0xFFFFC000  }
0x7a: {  	[hbm4b:s8+s2] =	stream.linear.scatter [tilespmem:s13], [sflag:$0x3], $0x4000, $0x38;
	[tilespmem:$0x18600] =	vst v63  }
0x7b: {  	_ =	swait.ge [sflag:s9], $0x4000  }
0x7c: {  	[sflag:s9] =	ssyncset.done $0x0  }
0x7d: {  	[sflag:s9] =	ssyncadd.s32 $0xFFFFC000  }
0x7e: {  	[hbm4b:s7+s2] =	stream.linear.scatter [tilespmem:s12], [sflag:$0x3], $0x4000, $0x38;
	[tilespmem:$0x18600] =	vst v63  }
0x7f: {  	_ =	swait.ge [sflag:s6], $0x4000  }
0x80: {  	[sflag:s6] =	ssyncset.done $0x0  }
0x81: {  	[sflag:s6] =	ssyncadd.s32 $0xFFFFC000  }
0x82: {  	_ =	swait.ge [sflag:s6], $0x4000  }
0x83: {  	[sflag:s6] =	ssyncset.done $0x0  }
0x84: {  	[sflag:s6] =	ssyncadd.s32 $0xFFFFC000  }
0x85: {  	_ =	swait.ge [sflag:s6], $0x4000  }
0x86: {  	[sflag:s6] =	ssyncset.done $0x0  }
0x87: {  	[sflag:s6] =	ssyncadd.s32 $0xFFFFC000  }
0x88: {  	_ =	swait.ge [sflag:s6], $0x4000  }
0x89: {  	[sflag:s6] =	ssyncset.done $0x0  }
0x8a: {  	p1 =	sne.s32 s18, $0x1;
	[sflag:s6] =	ssyncadd.s32 $0xFFFFC000  }
.Ltmp1:
0x8b: {  	_ =	swait.ge [sflag:s6], $0x4000;
	(pc) =	sbr.rel @!p1 .LBB2_3-.Ltmp1, $4  }
0x8c: {  	[sflag:s6] =	ssyncset.done $0x0  }
0x8d: {  	[sflag:s6] =	ssyncadd.s32 $0xFFFFC000  }
0x8e: {  	p0 =	por $0x1, $0x1;
	_ =	swait.ge [sflag:s6], $0x4000  }
0x8f: {  	s1 =	sadd.s32 $0xFFFFFFFF, s18;
	s0 =	rddreg [dreg:$0x8];
	[sflag:s6] =	ssyncset.done $0x0  }
.LBB2_4:
0x90: {  	[sflag:s6] =	ssyncadd.s32 $0xFFFFC000  }
0x91: {  	[tilespmem:s2], [sflag:$0x1] =	stream.linear.gather [hbm4b:s0+s2], $0x200, $0x38;
	[tilespmem:$0x18600] =	vst v63  }
0x92: {  	s18 =	rddreg [dreg:$0x9]  }
0x93: {  	[tilespmem:s30], [sflag:$0x1] =	stream.linear.gather [hbm4b:s18+s2], $0x200, $0x38;
	[tilespmem:$0x18600] =	vst v63  }
0x94: {  	s0 =	rddreg [dreg:$0xa]  }
0x95: {  	[tilespmem:s29], [sflag:$0x1] =	stream.linear.gather [hbm4b:s0+s2], $0x200, $0x38;
	[tilespmem:$0x18600] =	vst v63  }
0x96: {  	_ =	swait.ge [sflag:s31], $0x200  }
0x97: {  	[sflag:s31] =	ssyncset.done $0x0  }
0x98: {  	[sflag:s31] =	ssyncadd.s32 $0xFFFFFE00  }
0x99: {  	_ =	swait.ge [sflag:s31], $0x200  }
0x9a: {  	[sflag:s31] =	ssyncset.done $0x0  }
0x9b: {  	[sflag:s31] =	ssyncadd.s32 $0xFFFFFE00  }
0x9c: {  	_ =	swait.ge [sflag:s31], $0x200  }
0x9d: {  	[sflag:s31] =	ssyncset.done $0x0  }
0x9e: {  	[sflag:s31] =	ssyncadd.s32 $0xFFFFFE00  }
0x9f: {  	[tilespmem:s21], [sflag:$0x2] =	stream.indirect.gather [hbm4b:s5+s11], $0x80, s2, s11, $0xb8;
	[tilespmem:$0x18600] =	vst v63  }
0xa0: {  	_ = 	snop  }
0xa1: {  	[tilespmem:s19], [sflag:$0x2] =	stream.indirect.gather [hbm4b:s4+s11], $0x80, s30, s11, $0xb8;
	[tilespmem:$0x18600] =	vst v63  }
0xa2: {  	_ =	swait.ge [sflag:s9], $0x4000  }
0xa3: {  	[sflag:s9] =	ssyncset.done $0x0  }
0xa4: {  	s18 =	rddreg [dreg:$0xb];
	[sflag:s9] =	ssyncadd.s32 $0xFFFFC000  }
0xa5: {  	[hbm4b:s18+s2] =	stream.linear.scatter [tilespmem:s21], [sflag:$0x3], $0x4000, $0x38;
	[tilespmem:$0x18600] =	vst v63  }
0xa6: {  	_ = 	snop  }
0xa7: {  	[tilespmem:s17], [sflag:$0x2] =	stream.indirect.gather [hbm4b:s3+s11], $0x80, s29, s11, $0xb8;
	[tilespmem:$0x18600] =	vst v63  }
0xa8: {  	_ =	swait.ge [sflag:s9], $0x4000  }
0xa9: {  	[sflag:s9] =	ssyncset.done $0x0  }
0xaa: {  	s18 =	rddreg [dreg:$0xc];
	[sflag:s9] =	ssyncadd.s32 $0xFFFFC000  }
0xab: {  	[hbm4b:s18+s2] =	stream.linear.scatter [tilespmem:s19], [sflag:$0x3], $0x4000, $0x38;
	[tilespmem:$0x18600] =	vst v63  }
0xac: {  	_ = 	snop  }
0xad: {  	[tilespmem:s15], [sflag:$0x2] =	stream.indirect.gather [hbm4b:s5+s11], $0x80, s11, s11, $0xb8;
	[tilespmem:$0x18600] =	vst v63  }
0xae: {  	_ =	swait.ge [sflag:s9], $0x4000  }
0xaf: {  	[sflag:s9] =	ssyncset.done $0x0  }
0xb0: {  	s18 =	rddreg [dreg:$0xd];
	[sflag:s9] =	ssyncadd.s32 $0xFFFFC000  }
0xb1: {  	[hbm4b:s18+s2] =	stream.linear.scatter [tilespmem:s17], [sflag:$0x3], $0x4000, $0x38;
	[tilespmem:$0x18600] =	vst v63  }
0xb2: {  	s18 =	simm.s32 $0x280  }
0xb3: {  	[tilespmem:s13], [sflag:$0x2] =	stream.indirect.gather [hbm4b:s4+s11], $0x80, s18, s11, $0xb8;
	[tilespmem:$0x18600] =	vst v63  }
0xb4: {  	_ =	swait.ge [sflag:s9], $0x4000  }
0xb5: {  	[sflag:s9] =	ssyncset.done $0x0  }
0xb6: {  	s18 =	rddreg [dreg:$0xe];
	[sflag:s9] =	ssyncadd.s32 $0xFFFFC000  }
0xb7: {  	[hbm4b:s18+s2] =	stream.linear.scatter [tilespmem:s15], [sflag:$0x3], $0x4000, $0x38;
	[tilespmem:$0x18600] =	vst v63  }
0xb8: {  	_ = 	snop  }
0xb9: {  	[tilespmem:s12], [sflag:$0x2] =	stream.indirect.gather [hbm4b:s3+s11], $0x80, s28, s11, $0xb8;
	[tilespmem:$0x18600] =	vst v63  }
0xba: {  	_ =	swait.ge [sflag:s9], $0x4000  }
0xbb: {  	[sflag:s9] =	ssyncset.done $0x0  }
0xbc: {  	s18 =	rddreg [dreg:$0xf];
	[sflag:s9] =	ssyncadd.s32 $0xFFFFC000  }
0xbd: {  	[hbm4b:s18+s2] =	stream.linear.scatter [tilespmem:s13], [sflag:$0x3], $0x4000, $0x38;
	[tilespmem:$0x18600] =	vst v63  }
0xbe: {  	_ =	swait.ge [sflag:s6], $0x4000  }
0xbf: {  	[sflag:s6] =	ssyncset.done $0x0  }
0xc0: {  	[sflag:s6] =	ssyncadd.s32 $0xFFFFC000  }
0xc1: {  	[tilespmem:s21], [sflag:$0x2] =	stream.indirect.gather [hbm4b:s5+s11], $0x80, s26, s11, $0xb8;
	[tilespmem:$0x18600] =	vst v63  }
0xc2: {  	_ =	swait.ge [sflag:s9], $0x4000  }
0xc3: {  	[sflag:s9] =	ssyncset.done $0x0  }
0xc4: {  	s18 =	rddreg [dreg:$0x10];
	[sflag:s9] =	ssyncadd.s32 $0xFFFFC000  }
0xc5: {  	[hbm4b:s18+s2] =	stream.linear.scatter [tilespmem:s12], [sflag:$0x3], $0x4000, $0x38;
	[tilespmem:$0x18600] =	vst v63  }
0xc6: {  	_ =	swait.ge [sflag:s6], $0x4000  }
0xc7: {  	[sflag:s6] =	ssyncset.done $0x0  }
0xc8: {  	[sflag:s6] =	ssyncadd.s32 $0xFFFFC000  }
0xc9: {  	[tilespmem:s19], [sflag:$0x2] =	stream.indirect.gather [hbm4b:s4+s11], $0x80, s25, s11, $0xb8;
	[tilespmem:$0x18600] =	vst v63  }
0xca: {  	_ =	swait.ge [sflag:s9], $0x4000  }
0xcb: {  	[sflag:s9] =	ssyncset.done $0x0  }
0xcc: {  	s18 =	rddreg [dreg:$0x11];
	[sflag:s9] =	ssyncadd.s32 $0xFFFFC000  }
0xcd: {  	[hbm4b:s18+s2] =	stream.linear.scatter [tilespmem:s21], [sflag:$0x3], $0x4000, $0x38;
	[tilespmem:$0x18600] =	vst v63  }
0xce: {  	_ =	swait.ge [sflag:s6], $0x4000  }
0xcf: {  	[sflag:s6] =	ssyncset.done $0x0  }
0xd0: {  	[sflag:s6] =	ssyncadd.s32 $0xFFFFC000  }
0xd1: {  	[tilespmem:s17], [sflag:$0x2] =	stream.indirect.gather [hbm4b:s3+s11], $0x80, s24, s11, $0xb8;
	[tilespmem:$0x18600] =	vst v63  }
0xd2: {  	_ =	swait.ge [sflag:s9], $0x4000  }
0xd3: {  	[sflag:s9] =	ssyncset.done $0x0  }
0xd4: {  	[sflag:s9] =	ssyncadd.s32 $0xFFFFC000  }
0xd5: {  	[hbm4b:s16+s2] =	stream.linear.scatter [tilespmem:s19], [sflag:$0x3], $0x4000, $0x38;
	[tilespmem:$0x18600] =	vst v63  }
0xd6: {  	_ =	swait.ge [sflag:s6], $0x4000  }
0xd7: {  	[sflag:s6] =	ssyncset.done $0x0  }
0xd8: {  	[sflag:s6] =	ssyncadd.s32 $0xFFFFC000  }
0xd9: {  	[tilespmem:s15], [sflag:$0x2] =	stream.indirect.gather [hbm4b:s5+s11], $0x80, s23, s11, $0xb8;
	[tilespmem:$0x18600] =	vst v63  }
0xda: {  	_ =	swait.ge [sflag:s9], $0x4000  }
0xdb: {  	[sflag:s9] =	ssyncset.done $0x0  }
0xdc: {  	[sflag:s9] =	ssyncadd.s32 $0xFFFFC000  }
0xdd: {  	[hbm4b:s14+s2] =	stream.linear.scatter [tilespmem:s17], [sflag:$0x3], $0x4000, $0x38;
	[tilespmem:$0x18600] =	vst v63  }
0xde: {  	_ =	swait.ge [sflag:s6], $0x4000  }
0xdf: {  	[sflag:s6] =	ssyncset.done $0x0  }
0xe0: {  	[sflag:s6] =	ssyncadd.s32 $0xFFFFC000  }
0xe1: {  	[tilespmem:s13], [sflag:$0x2] =	stream.indirect.gather [hbm4b:s4+s11], $0x80, s22, s11, $0xb8;
	[tilespmem:$0x18600] =	vst v63  }
0xe2: {  	_ =	swait.ge [sflag:s9], $0x4000  }
0xe3: {  	[sflag:s9] =	ssyncset.done $0x0  }
0xe4: {  	[sflag:s9] =	ssyncadd.s32 $0xFFFFC000  }
0xe5: {  	[hbm4b:s10+s2] =	stream.linear.scatter [tilespmem:s15], [sflag:$0x3], $0x4000, $0x38;
	[tilespmem:$0x18600] =	vst v63  }
0xe6: {  	_ =	swait.ge [sflag:s6], $0x4000  }
0xe7: {  	[sflag:s6] =	ssyncset.done $0x0  }
0xe8: {  	[sflag:s6] =	ssyncadd.s32 $0xFFFFC000  }
0xe9: {  	[tilespmem:s12], [sflag:$0x2] =	stream.indirect.gather [hbm4b:s3+s11], $0x80, s20, s11, $0xb8;
	[tilespmem:$0x18600] =	vst v63  }
0xea: {  	_ =	swait.ge [sflag:s9], $0x4000  }
0xeb: {  	[sflag:s9] =	ssyncset.done $0x0  }
0xec: {  	[sflag:s9] =	ssyncadd.s32 $0xFFFFC000  }
0xed: {  	[hbm4b:s8+s2] =	stream.linear.scatter [tilespmem:s13], [sflag:$0x3], $0x4000, $0x38;
	[tilespmem:$0x18600] =	vst v63  }
0xee: {  	_ =	swait.ge [sflag:s9], $0x4000  }
0xef: {  	[sflag:s9] =	ssyncset.done $0x0  }
0xf0: {  	[sflag:s9] =	ssyncadd.s32 $0xFFFFC000  }
0xf1: {  	[hbm4b:s7+s2] =	stream.linear.scatter [tilespmem:s12], [sflag:$0x3], $0x4000, $0x38;
	[tilespmem:$0x18600] =	vst v63  }
0xf2: {  	_ =	swait.ge [sflag:s6], $0x4000  }
0xf3: {  	[sflag:s6] =	ssyncset.done $0x0  }
0xf4: {  	[sflag:s6] =	ssyncadd.s32 $0xFFFFC000  }
0xf5: {  	_ =	swait.ge [sflag:s6], $0x4000  }
0xf6: {  	[sflag:s6] =	ssyncset.done $0x0  }
0xf7: {  	[sflag:s6] =	ssyncadd.s32 $0xFFFFC000  }
0xf8: {  	_ =	swait.ge [sflag:s6], $0x4000  }
0xf9: {  	[sflag:s6] =	ssyncset.done $0x0  }
0xfa: {  	[sflag:s6] =	ssyncadd.s32 $0xFFFFC000  }
0xfb: {  	_ =	swait.ge [sflag:s6], $0x4000  }
0xfc: {  	[sflag:s6] =	ssyncset.done $0x0  }
0xfd: {  	p1 =	sne.s32 s1, $0x1;
	[sflag:s6] =	ssyncadd.s32 $0xFFFFC000  }
.Ltmp2:
0xfe: {  	_ =	swait.ge [sflag:s6], $0x4000;
	(pc) =	sbr.rel @p1 .LBB2_4-.Ltmp2, $4  }
0xff: {  	[sflag:s6] =	ssyncset.done $0x0  }
0x100: {  	[sflag:s6] =	ssyncadd.s32 $0xFFFFC000  }
0x101: {  	_ =	swait.ge [sflag:s6], $0x4000  }
0x102: {  	s1 =	sadd.s32 $0xFFFFFFFF, s1;
	s0 =	rddreg [dreg:$0x8];
	[sflag:s6] =	ssyncset.done $0x0  }
0x103: {  	s20 =	simm.s32 $0x280;
	s28 =	simm.s32 $0x480  }
0x104: {  	s26 =	simm.s32 $0x100;
	s25 =	simm.s32 $0x300;
	s24 =	simm.s32 $0x500  }
0x105: {  	s23 =	simm.s32 $0x180;
	s22 =	simm.s32 $0x380;
	s18 =	stileid.u32  }
.LBB2_6:
0x106: {  	[sflag:s6] =	ssyncadd.s32 @p0 $0xFFFFC000  }
0x107: {  	[tilespmem:s2], [sflag:$0x1] =	stream.linear.gather [hbm4b:s0+s2], $0x200, $0x38;
	[tilespmem:$0x18600] =	vst v63  }
0x108: {  	s1 =	rddreg [dreg:$0x9]  }
0x109: {  	[tilespmem:s30], [sflag:$0x1] =	stream.linear.gather [hbm4b:s1+s2], $0x200, $0x38;
	[tilespmem:$0x18600] =	vst v63  }
0x10a: {  	s0 =	rddreg [dreg:$0xa]  }
0x10b: {  	[tilespmem:s29], [sflag:$0x1] =	stream.linear.gather [hbm4b:s0+s2], $0x200, $0x38;
	[tilespmem:$0x18600] =	vst v63  }
0x10c: {  	_ =	swait.ge [sflag:s31], $0x200  }
0x10d: {  	[sflag:s31] =	ssyncset.done $0x0  }
0x10e: {  	[sflag:s31] =	ssyncadd.s32 $0xFFFFFE00  }
0x10f: {  	_ =	swait.ge [sflag:s31], $0x200  }
0x110: {  	[sflag:s31] =	ssyncset.done $0x0  }
0x111: {  	[sflag:s31] =	ssyncadd.s32 $0xFFFFFE00  }
0x112: {  	_ =	swait.ge [sflag:s31], $0x200  }
0x113: {  	[sflag:s31] =	ssyncset.done $0x0  }
0x114: {  	[sflag:s31] =	ssyncadd.s32 $0xFFFFFE00  }
0x115: {  	[tilespmem:s21], [sflag:$0x2] =	stream.indirect.gather [hbm4b:s5+s11], $0x80, s2, s11, $0xb8;
	[tilespmem:$0x18600] =	vst v63  }
0x116: {  	_ = 	snop  }
0x117: {  	[tilespmem:s19], [sflag:$0x2] =	stream.indirect.gather [hbm4b:s4+s11], $0x80, s30, s11, $0xb8;
	[tilespmem:$0x18600] =	vst v63  }
0x118: {  	_ =	swait.ge [sflag:s9], $0x4000  }
0x119: {  	[sflag:s9] =	ssyncset.done $0x0  }
0x11a: {  	s30 =	rddreg [dreg:$0xb];
	[sflag:s9] =	ssyncadd.s32 $0xFFFFC000  }
0x11b: {  	[hbm4b:s30+s2] =	stream.linear.scatter [tilespmem:s21], [sflag:$0x3], $0x4000, $0x38;
	[tilespmem:$0x18600] =	vst v63  }
0x11c: {  	_ = 	snop  }
0x11d: {  	[tilespmem:s17], [sflag:$0x2] =	stream.indirect.gather [hbm4b:s3+s11], $0x80, s29, s11, $0xb8;
	[tilespmem:$0x18600] =	vst v63  }
0x11e: {  	_ =	swait.ge [sflag:s9], $0x4000  }
0x11f: {  	[sflag:s9] =	ssyncset.done $0x0  }
0x120: {  	s31 =	rddreg [dreg:$0xc];
	[sflag:s9] =	ssyncadd.s32 $0xFFFFC000  }
0x121: {  	[hbm4b:s31+s2] =	stream.linear.scatter [tilespmem:s19], [sflag:$0x3], $0x4000, $0x38;
	[tilespmem:$0x18600] =	vst v63  }
0x122: {  	_ = 	snop  }
0x123: {  	[tilespmem:s15], [sflag:$0x2] =	stream.indirect.gather [hbm4b:s5+s11], $0x80, s11, s11, $0xb8;
	[tilespmem:$0x18600] =	vst v63  }
0x124: {  	_ =	swait.ge [sflag:s9], $0x4000  }
0x125: {  	[sflag:s9] =	ssyncset.done $0x0  }
0x126: {  	s1 =	rddreg [dreg:$0xd];
	[sflag:s9] =	ssyncadd.s32 $0xFFFFC000  }
0x127: {  	[hbm4b:s1+s2] =	stream.linear.scatter [tilespmem:s17], [sflag:$0x3], $0x4000, $0x38;
	[tilespmem:$0x18600] =	vst v63  }
0x128: {  	_ = 	snop  }
0x129: {  	[tilespmem:s13], [sflag:$0x2] =	stream.indirect.gather [hbm4b:s4+s11], $0x80, s20, s11, $0xb8;
	[tilespmem:$0x18600] =	vst v63  }
0x12a: {  	_ =	swait.ge [sflag:s9], $0x4000  }
0x12b: {  	[sflag:s9] =	ssyncset.done $0x0  }
0x12c: {  	s20 =	rddreg [dreg:$0xe];
	[sflag:s9] =	ssyncadd.s32 $0xFFFFC000  }
0x12d: {  	[hbm4b:s20+s2] =	stream.linear.scatter [tilespmem:s15], [sflag:$0x3], $0x4000, $0x38;
	[tilespmem:$0x18600] =	vst v63  }
0x12e: {  	_ = 	snop  }
0x12f: {  	[tilespmem:s12], [sflag:$0x2] =	stream.indirect.gather [hbm4b:s3+s11], $0x80, s28, s11, $0xb8;
	[tilespmem:$0x18600] =	vst v63  }
0x130: {  	_ =	swait.ge [sflag:s9], $0x4000  }
0x131: {  	[sflag:s9] =	ssyncset.done $0x0  }
0x132: {  	s28 =	rddreg [dreg:$0xf];
	[sflag:s9] =	ssyncadd.s32 $0xFFFFC000  }
0x133: {  	[hbm4b:s28+s2] =	stream.linear.scatter [tilespmem:s13], [sflag:$0x3], $0x4000, $0x38;
	[tilespmem:$0x18600] =	vst v63  }
0x134: {  	_ =	swait.ge [sflag:s6], $0x4000  }
0x135: {  	[sflag:s6] =	ssyncset.done $0x0  }
0x136: {  	[sflag:s6] =	ssyncadd.s32 $0xFFFFC000  }
0x137: {  	[tilespmem:s21], [sflag:$0x2] =	stream.indirect.gather [hbm4b:s5+s11], $0x80, s26, s11, $0xb8;
	[tilespmem:$0x18600] =	vst v63  }
0x138: {  	_ =	swait.ge [sflag:s9], $0x4000  }
0x139: {  	[sflag:s9] =	ssyncset.done $0x0  }
0x13a: {  	s29 =	rddreg [dreg:$0x10];
	[sflag:s9] =	ssyncadd.s32 $0xFFFFC000  }
0x13b: {  	[hbm4b:s29+s2] =	stream.linear.scatter [tilespmem:s12], [sflag:$0x3], $0x4000, $0x38;
	[tilespmem:$0x18600] =	vst v63  }
0x13c: {  	_ =	swait.ge [sflag:s6], $0x4000  }
0x13d: {  	[sflag:s6] =	ssyncset.done $0x0  }
0x13e: {  	[sflag:s6] =	ssyncadd.s32 $0xFFFFC000  }
0x13f: {  	[tilespmem:s19], [sflag:$0x2] =	stream.indirect.gather [hbm4b:s4+s11], $0x80, s25, s11, $0xb8;
	[tilespmem:$0x18600] =	vst v63  }
0x140: {  	_ =	swait.ge [sflag:s9], $0x4000  }
0x141: {  	[sflag:s9] =	ssyncset.done $0x0  }
0x142: {  	s30 =	rddreg [dreg:$0x11];
	[sflag:s9] =	ssyncadd.s32 $0xFFFFC000  }
0x143: {  	[hbm4b:s30+s2] =	stream.linear.scatter [tilespmem:s21], [sflag:$0x3], $0x4000, $0x38;
	[tilespmem:$0x18600] =	vst v63  }
0x144: {  	_ =	swait.ge [sflag:s6], $0x4000  }
0x145: {  	[sflag:s6] =	ssyncset.done $0x0  }
0x146: {  	[sflag:s6] =	ssyncadd.s32 $0xFFFFC000  }
0x147: {  	[tilespmem:s17], [sflag:$0x2] =	stream.indirect.gather [hbm4b:s3+s11], $0x80, s24, s11, $0xb8;
	[tilespmem:$0x18600] =	vst v63  }
0x148: {  	_ =	swait.ge [sflag:s9], $0x4000  }
0x149: {  	[sflag:s9] =	ssyncset.done $0x0  }
0x14a: {  	[sflag:s9] =	ssyncadd.s32 $0xFFFFC000  }
0x14b: {  	[hbm4b:s16+s2] =	stream.linear.scatter [tilespmem:s19], [sflag:$0x3], $0x4000, $0x38;
	[tilespmem:$0x18600] =	vst v63  }
0x14c: {  	_ =	swait.ge [sflag:s6], $0x4000  }
0x14d: {  	[sflag:s6] =	ssyncset.done $0x0  }
0x14e: {  	[sflag:s6] =	ssyncadd.s32 $0xFFFFC000  }
0x14f: {  	[tilespmem:s15], [sflag:$0x2] =	stream.indirect.gather [hbm4b:s5+s11], $0x80, s23, s11, $0xb8;
	[tilespmem:$0x18600] =	vst v63  }
0x150: {  	_ =	swait.ge [sflag:s9], $0x4000  }
0x151: {  	[sflag:s9] =	ssyncset.done $0x0  }
0x152: {  	[sflag:s9] =	ssyncadd.s32 $0xFFFFC000  }
0x153: {  	[hbm4b:s14+s2] =	stream.linear.scatter [tilespmem:s17], [sflag:$0x3], $0x4000, $0x38;
	[tilespmem:$0x18600] =	vst v63  }
0x154: {  	_ =	swait.ge [sflag:s6], $0x4000  }
0x155: {  	[sflag:s6] =	ssyncset.done $0x0  }
0x156: {  	[sflag:s6] =	ssyncadd.s32 $0xFFFFC000  }
0x157: {  	[tilespmem:s13], [sflag:$0x2] =	stream.indirect.gather [hbm4b:s4+s11], $0x80, s22, s11, $0xb8;
	[tilespmem:$0x18600] =	vst v63  }
0x158: {  	_ =	swait.ge [sflag:s9], $0x4000  }
0x159: {  	[sflag:s9] =	ssyncset.done $0x0  }
0x15a: {  	[sflag:s9] =	ssyncadd.s32 $0xFFFFC000  }
0x15b: {  	[hbm4b:s10+s2] =	stream.linear.scatter [tilespmem:s15], [sflag:$0x3], $0x4000, $0x38;
	[tilespmem:$0x18600] =	vst v63  }
0x15c: {  	_ =	swait.ge [sflag:s6], $0x4000  }
0x15d: {  	[sflag:s6] =	ssyncset.done $0x0  }
0x15e: {  	s31 =	simm.s32 $0x580;
	[sflag:s6] =	ssyncadd.s32 $0xFFFFC000  }
0x15f: {  	[tilespmem:s12], [sflag:$0x2] =	stream.indirect.gather [hbm4b:s3+s11], $0x80, s31, s11, $0xb8;
	[tilespmem:$0x18600] =	vst v63  }
0x160: {  	_ =	swait.ge [sflag:s9], $0x4000  }
0x161: {  	[sflag:s9] =	ssyncset.done $0x0  }
0x162: {  	[sflag:s9] =	ssyncadd.s32 $0xFFFFC000  }
0x163: {  	[hbm4b:s8+s2] =	stream.linear.scatter [tilespmem:s13], [sflag:$0x3], $0x4000, $0x38;
	[tilespmem:$0x18600] =	vst v63  }
0x164: {  	_ =	swait.ge [sflag:s9], $0x4000  }
0x165: {  	[sflag:s9] =	ssyncset.done $0x0  }
0x166: {  	[sflag:s9] =	ssyncadd.s32 $0xFFFFC000  }
0x167: {  	[hbm4b:s7+s2] =	stream.linear.scatter [tilespmem:s12], [sflag:$0x3], $0x4000, $0x38;
	[tilespmem:$0x18600] =	vst v63  }
0x168: {  	_ =	swait.ge [sflag:s6], $0x4000  }
0x169: {  	[sflag:s6] =	ssyncset.done $0x0  }
0x16a: {  	[sflag:s6] =	ssyncadd.s32 $0xFFFFC000  }
0x16b: {  	_ =	swait.ge [sflag:s6], $0x4000  }
0x16c: {  	[sflag:s6] =	ssyncset.done $0x0  }
0x16d: {  	[sflag:s6] =	ssyncadd.s32 $0xFFFFC000  }
0x16e: {  	_ =	swait.ge [sflag:s6], $0x4000  }
0x16f: {  	[sflag:s6] =	ssyncset.done $0x0  }
0x170: {  	[sflag:s6] =	ssyncadd.s32 $0xFFFFC000  }
0x171: {  	_ =	swait.ge [sflag:s6], $0x4000  }
0x172: {  	[sflag:s6] =	ssyncset.done $0x0  }
0x173: {  	[sflag:s6] =	ssyncadd.s32 $0xFFFFC000  }
0x174: {  	_ =	swait.ge [sflag:s6], $0x4000  }
0x175: {  	[sflag:s6] =	ssyncset.done $0x0  }
0x176: {  	[sflag:s6] =	ssyncadd.s32 $0xFFFFC000  }
0x177: {  	_ =	swait.ge [sflag:s6], $0x4000  }
0x178: {  	[sflag:s6] =	ssyncset.done $0x0  }
0x179: {  	[sflag:s6] =	ssyncadd.s32 $0xFFFFC000  }
0x17a: {  	_ =	sfence.sel $0x180000  }
0x17b: {  	[bflag:$0x0] =	sbarrier.arrive $0xFFFF  }
0x17c: {  	_ =	strace $0x90000047  }
0x17d: {  	[bflag:$0x2] =	sbarrier.arrive $0xFFFF  }
0x17e: {  	p0 =	sne.s32 s18, $0x0;
	s0 =	rddreg [dreg:$0x7]  }
0x17f: {  	s0 =	sadd.s32 @!p0 $0x100000, s0  }
0x180: {  	[sflag:s0] =	ssyncadd.tile.s32 @!p0 $0x1;
	_ =	shalt  }
.LBB2_1:
.Ltmp3:
0x181: {  	(pc) =	sbr.rel .LBB2_6-.Ltmp3, $4  }
0x182: {  	_ = 	snop  }
0x183: {  	s20 =	simm.s32 $0x280  }
0x184: {  	s28 =	simm.s32 $0x480;
	s26 =	simm.s32 $0x100;
	s25 =	simm.s32 $0x300  }
0x185: {  	s24 =	simm.s32 $0x500;
	s23 =	simm.s32 $0x180;
	s22 =	simm.s32 $0x380  }
.LBB2_3:
.Ltmp4:
0x186: {  	(pc) =	sbr.rel .LBB2_6-.Ltmp4, $4  }
0x187: {  	_ = 	snop  }
0x188: {  	s20 =	simm.s32 $0x280;
	s28 =	simm.s32 $0x480  }
0x189: {  	s26 =	simm.s32 $0x100;
	s25 =	simm.s32 $0x300;
	s24 =	simm.s32 $0x500  }
0x18a: {  	s23 =	simm.s32 $0x180;
	s22 =	simm.s32 $0x380;
	s18 =	stileid.u32  }
.Lfunc_end2:
_tile_overlayer_lowered:
.L_overlay_start_2:
0x18b: {  	(tag) =	ssettag $0x2  }
0x18c: {  	s0 =	rddreg [dreg:$0x0];
	s2 =	stileid.u32  }
0x18d: {  	s1 =	rddreg [dreg:$0x1];
	p0 =	sne.s32 s2, $0x0  }
0x18e: {  	s3 =	rddreg [dreg:$0x2];
	[bflag:$0x3] =	sbarrier.arrive $0xFFFF;
	s2 =	simm.s32 @!p0 $0x1C04  }
0x18f: {  	[timem:s3], [sflag:s2] =	dma.local @!p0 [hbm:s0], s1  }
0x190: {  	s0 =	simm.s32 @!p0 $0x4  }
0x191: {  	_ =	swait.ge @!p0 [sflag:s0], s1  }
0x192: {  	s1 =	ssub.s32 @!p0 $0x0, s1;
	[sflag:s0] =	ssyncset.done @!p0 $0x0  }
0x193: {  	[sflag:s0] =	ssyncadd.s32 @!p0 s1  }
0x194: {  	[bflag:$0x3] =	sbarrier.arrive $0xFFFF  }
0x195: {  	_ =	shalt  }

</sc_bundles>
